<compile_context>
chip_gen: v7x
topology: tpu7x:2x2x1
jax: 0.10.2.dev20260603
libtpu: 0.0.44.dev20260713+nightly
codegen_flags: <defaults>
</compile_context>

<pallas_src>
import jax
import jax.numpy as jnp
from jax import lax
from jax.experimental import pallas as pl
from jax.experimental.pallas import tpu as pltpu
from jax.experimental.pallas import tpu_sc as plsc
import functools

TOKENS = 100
DIM = 1024
BATCH = 1024
B = BATCH * TOKENS

NC, NS = 2, 16
NW = NC * NS
B_PER_W = B // NW
L = 16
NSTEPS = B_PER_W // L


def _make_kernel():
    mesh = plsc.VectorSubcoreMesh(core_axis_name="c", subcore_axis_name="s")

    @functools.partial(
        pl.kernel,
        out_type=jax.ShapeDtypeStruct((TOKENS, BATCH, DIM), jnp.float32),
        mesh=mesh,
        scratch_types=[
            pltpu.VMEM((TOKENS, DIM), jnp.float32),
            pltpu.VMEM((B_PER_W,), jnp.int32),
            pltpu.SemaphoreType.DMA,
        ],
        compiler_params=pltpu.CompilerParams(use_tc_tiling_on_sc=True),
    )
    def emb(idx_hbm, table_hbm, out_hbm, table_v, idx_v, ssem):
        wid = lax.axis_index("s") * NC + lax.axis_index("c")
        base = wid * B_PER_W
        pltpu.sync_copy(table_hbm, table_v)
        pltpu.sync_copy(idx_hbm.at[pl.ds(base, B_PER_W)], idx_v)

        def fire_step(ci, carry):
            goff = base + ci * L
            vec = idx_v[pl.ds(ci * L, L)]
            for j in range(L):
                i = jnp.squeeze(lax.slice(vec, (j,), (j + 1,)))
                g = goff + j
                pltpu.make_async_copy(
                    table_v.at[i], out_hbm.at[g // BATCH, g % BATCH], ssem
                ).start()
            return carry

        lax.fori_loop(0, NSTEPS, fire_step, 0)

        def drain_step(r, carry):
            pltpu.make_async_copy(
                table_v.at[pl.ds(0, 64)],
                out_hbm.at[0, pl.ds(0, 64)],
                ssem,
            ).wait()
            return carry

        lax.fori_loop(0, B_PER_W // 64, drain_step, 0)

    return emb


_emb = _make_kernel()


@jax.jit
def kernel(indices, embedding_weight):
    idx_t = indices.T.reshape(B).astype(jnp.int32)
    out_tbd = _emb(idx_t, embedding_weight)
    return out_tbd.transpose(1, 0, 2)

# --- scband reference (transcript-rebuilt; emitter-appended) ---
"""Pipeline reference for scband-prompt-embedding-23459111370933 (READ-ONLY COPY).

The authoritative reference and input builder live on the scoring server;
editing this copy changes nothing except your own understanding.
"""

import jax, jax.numpy as jnp
import numpy as np

TOTAL_VIRTUAL_TOKENS = 100  # num_virtual_tokens(50) * num_transformer_submodules(2)
TOKEN_DIM = 1024
BATCH = 1024

def setup_inputs(seed: int = 0) -> dict:
    key = jax.random.key(seed)
    k_idx, k_tab = jax.random.split(key)
    indices = jax.random.randint(k_idx, (BATCH, TOTAL_VIRTUAL_TOKENS), 0, TOTAL_VIRTUAL_TOKENS, dtype=jnp.int64 if jax.config.jax_enable_x64 else jnp.int32)
    # Learned parameter: nn.Embedding(total_virtual_tokens, token_dim) weight (default init ~ N(0,1))
    embedding_weight = jax.random.normal(k_tab, (TOTAL_VIRTUAL_TOKENS, TOKEN_DIM), dtype=jnp.float32)
    return {"indices": indices, "embedding_weight": embedding_weight}

def reference(indices, embedding_weight):
    # PromptEmbedding.forward: prompt_embs = self.embedding(indices)
    prompt_embs = jnp.take(embedding_weight, indices, axis=0)
    return prompt_embs

if __name__ == "__main__":
    import jax
    _d = setup_inputs()
    print(jax.jit(kernel)(*tuple(_d.values())))

</pallas_src>

<mosaic_0001>
#map = affine_map<(d0, d1) -> (0)>
#map1 = affine_map<(d0, d1) -> (0, 0)>
#map2 = affine_map<(d0, d1) -> (0, 0, 0)>
module attributes {stable_mosaic.version = 14 : i64} {
  func.func @emb(%arg0: i32, %arg1: i32, %arg2: memref<102400xi32, #tpu.memory_space<hbm>>, %arg3: memref<100x1024xf32, #tpu.memory_space<hbm>>, %arg4: memref<100x1024x1024xf32, #tpu.memory_space<hbm>>, %arg5: memref<100x1024xf32, #tpu.memory_space<vmem>>, %arg6: memref<3200xi32, #tpu.memory_space<vmem>>, %arg7: memref<!tpu.dma_semaphore, #tpu.memory_space<semaphore_mem>>) attributes {dimension_semantics = [#tpu.dimension_semantics<core_parallel>, #tpu.dimension_semantics<subcore_parallel>], iteration_bounds = array<i64: 2, 16>, scalar_prefetch = 0 : i64, scratch_operands = 3 : i64, tpu.core_type = #tpu.core_type<sc_vector_subcore>, window_params = [{transform_indices = #map}, {transform_indices = #map1}, {transform_indices = #map2}]} {
    %mul3A = arith.constant 2 : i32
    %mul3A_0 = arith.muli %arg1, %mul3A : i32
    %add3A = arith.addi %mul3A_0, %arg0 : i32
    %mul3A_1 = arith.constant 3200 : i32
    %mul3A_2 = arith.muli %add3A, %mul3A_1 : i32
    "tpu.region"() ({
      %run_scoped3A = tpu.sem_alloc : memref<!tpu.dma_semaphore, #tpu.memory_space<semaphore_mem>>
      tpu.enqueue_dma source(%arg3 : memref<100x1024xf32, #tpu.memory_space<hbm>>) target(%arg5 : memref<100x1024xf32, #tpu.memory_space<vmem>>) target_semaphore(%run_scoped3A : memref<!tpu.dma_semaphore, #tpu.memory_space<semaphore_mem>>)
      tpu.wait_dma2 semaphore(%run_scoped3A : memref<!tpu.dma_semaphore, #tpu.memory_space<semaphore_mem>>) src(%arg3 : memref<100x1024xf32, #tpu.memory_space<hbm>>) dst(%arg5 : memref<100x1024xf32, #tpu.memory_space<vmem>>)
      tpu.yield
    }) : () -> ()
    "tpu.region"() ({
      %run_scoped3A = tpu.sem_alloc : memref<!tpu.dma_semaphore, #tpu.memory_space<semaphore_mem>>
      %dma_start3A = tpu.memref_slice %arg2[%mul3A_2] : memref<102400xi32, #tpu.memory_space<hbm>> -> memref<3200xi32, #tpu.memory_space<hbm>>
      %dma_start3A_14 = tpu.memref_slice %arg2[%mul3A_2] : memref<102400xi32, #tpu.memory_space<hbm>> -> memref<3200xi32, #tpu.memory_space<hbm>>
      tpu.enqueue_dma source(%dma_start3A_14 : memref<3200xi32, #tpu.memory_space<hbm>>) target(%arg6 : memref<3200xi32, #tpu.memory_space<vmem>>) target_semaphore(%run_scoped3A : memref<!tpu.dma_semaphore, #tpu.memory_space<semaphore_mem>>)
      %dma_wait3A = tpu.memref_slice %arg2[%mul3A_2] : memref<102400xi32, #tpu.memory_space<hbm>> -> memref<3200xi32, #tpu.memory_space<hbm>>
      %dma_wait3A_15 = tpu.memref_slice %arg2[%mul3A_2] : memref<102400xi32, #tpu.memory_space<hbm>> -> memref<3200xi32, #tpu.memory_space<hbm>>
      tpu.wait_dma2 semaphore(%run_scoped3A : memref<!tpu.dma_semaphore, #tpu.memory_space<semaphore_mem>>) src(%dma_wait3A_15 : memref<3200xi32, #tpu.memory_space<hbm>>) dst(%arg6 : memref<3200xi32, #tpu.memory_space<vmem>>)
      tpu.yield
    }) : () -> ()
    %scan3A = arith.constant 0 : i32
    %scan3A_3 = arith.constant 0 : i32
    %scan3A_4 = arith.constant 200 : i32
    %scan3A_5 = arith.addi %scan3A_3, %scan3A_4 : i32
    %scan3A_6 = arith.constant 1 : i32
    scf.for %scan3A_14 = %scan3A_3 to %scan3A_5 step %scan3A_6  : i32 {
      %mul3A_15 = arith.constant 16 : i32
      %mul3A_16 = arith.muli %scan3A_14, %mul3A_15 : i32
      %add3A_17 = arith.addi %mul3A_2, %mul3A_16 : i32
      %mul3A_18 = arith.constant 16 : i32
      %mul3A_19 = arith.muli %scan3A_14, %mul3A_18 : i32
      %get3A = arith.index_cast %mul3A_19 : i32 to index
      %get3A_20 = tpu.vector_load %arg6[%get3A] {strides = array<i32>} : memref<3200xi32, #tpu.memory_space<vmem>>, vector<16xi32>,
      %get3A_21 = vector.shape_cast %get3A_20 : vector<16xi32> to vector<16xi32>
      %slice3A = vector.extract_strided_slice %get3A_21 {offsets = [0], sizes = [1], strides = [1]} : vector<16xi32> to vector<1xi32>
      %squeeze3A = vector.extract %slice3A[0] : i32 from vector<1xi32>
      %add3A_22 = arith.constant 0 : i32
      %add3A_23 = arith.addi %add3A_17, %add3A_22 : i32
      %jit3A = arith.constant 1024 : i32
      %div3A = arith.divsi %add3A_23, %jit3A : i32
      %sign3A = arith.constant 0 : i32
      %sign3A_24 = arith.cmpi sgt, %add3A_23, %sign3A : i32
      %sign3A_25 = arith.extui %sign3A_24 : i1 to i32
      %sign3A_26 = arith.constant 0 : i32
      %sign3A_27 = arith.cmpi slt, %add3A_23, %sign3A_26 : i32
      %sign3A_28 = arith.extui %sign3A_27 : i1 to i32
      %sign3A_29 = arith.subi %sign3A_25, %sign3A_28 : i32
      %sign3A_30 = arith.constant 0 : i32
      %sign3A_31 = arith.cmpi sgt, %jit3A, %sign3A_30 : i32
      %sign3A_32 = arith.extui %sign3A_31 : i1 to i32
      %sign3A_33 = arith.constant 0 : i32
      %sign3A_34 = arith.cmpi slt, %jit3A, %sign3A_33 : i32
      %sign3A_35 = arith.extui %sign3A_34 : i1 to i32
      %sign3A_36 = arith.subi %sign3A_32, %sign3A_35 : i32
      %ne3A = arith.cmpi ne, %sign3A_29, %sign3A_36 : i32
      %rem3A = arith.remsi %add3A_23, %jit3A : i32
      %ne3A_37 = arith.constant 0 : i32
      %ne3A_38 = arith.cmpi ne, %rem3A, %ne3A_37 : i32
      %and3A = arith.andi %ne3A, %ne3A_38 : i1
      %sub3A = arith.constant 1 : i32
      %sub3A_39 = arith.subi %div3A, %sub3A : i32
      %select_n3A = arith.select %and3A, %sub3A_39, %div3A : i32
      %jit3A_40 = arith.constant 1024 : i32
      %eq3A = arith.constant 0 : i32
      %eq3A_41 = arith.cmpi eq, %jit3A_40, %eq3A : i32
      %jit3A_42 = arith.constant 1 : i32
      %select_n3A_43 = arith.select %eq3A_41, %jit3A_42, %jit3A_40 : i32
      %rem3A_44 = arith.remsi %add3A_23, %select_n3A_43 : i32
      %ne3A_45 = arith.constant 0 : i32
      %ne3A_46 = arith.cmpi ne, %rem3A_44, %ne3A_45 : i32
      %lt3A = arith.constant 0 : i32
      %lt3A_47 = arith.cmpi slt, %rem3A_44, %lt3A : i32
      %lt3A_48 = arith.constant 0 : i32
      %lt3A_49 = arith.cmpi slt, %select_n3A_43, %lt3A_48 : i32
      %ne3A_50 = arith.xori %lt3A_47, %lt3A_49 : i1
      %and3A_51 = arith.andi %ne3A_50, %ne3A_46 : i1
      %add3A_52 = arith.addi %rem3A_44, %select_n3A_43 : i32
      %select_n3A_53 = arith.select %and3A_51, %add3A_52, %rem3A_44 : i32
      %dma_start3A = arith.constant 0 : i32
      %dma_start3A_54 = tpu.memref_slice %arg5[%squeeze3A, %dma_start3A] : memref<100x1024xf32, #tpu.memory_space<vmem>> -> memref<1x1024xf32, #tpu.memory_space<vmem>>
      %dma_start3A_55 = tpu.memref_squeeze %dma_start3A_54 : memref<1x1024xf32, #tpu.memory_space<vmem>> -> memref<1024xf32, #tpu.memory_space<vmem>>
      %dma_start3A_56 = arith.constant 0 : i32
      %dma_start3A_57 = tpu.memref_slice %arg4[%select_n3A, %select_n3A_53, %dma_start3A_56] : memref<100x1024x1024xf32, #tpu.memory_space<hbm>> -> memref<1x1x1024xf32, #tpu.memory_space<hbm>>
      %dma_start3A_58 = tpu.memref_squeeze %dma_start3A_57 : memref<1x1x1024xf32, #tpu.memory_space<hbm>> -> memref<1024xf32, #tpu.memory_space<hbm>>
      %dma_start3A_59 = arith.constant 0 : i32
      %dma_start3A_60 = tpu.memref_slice %arg4[%select_n3A, %select_n3A_53, %dma_start3A_59] : memref<100x1024x1024xf32, #tpu.memory_space<hbm>> -> memref<1x1x1024xf32, #tpu.memory_space<hbm>>
      %dma_start3A_61 = tpu.memref_squeeze %dma_start3A_60 : memref<1x1x1024xf32, #tpu.memory_space<hbm>> -> memref<1024xf32, #tpu.memory_space<hbm>>
      %dma_start3A_62 = arith.constant 0 : i32
      %dma_start3A_63 = tpu.memref_slice %arg5[%squeeze3A, %dma_start3A_62] : memref<100x1024xf32, #tpu.memory_space<vmem>> -> memref<1x1024xf32, #tpu.memory_space<vmem>>
      %dma_start3A_64 = tpu.memref_squeeze %dma_start3A_63 : memref<1x1024xf32, #tpu.memory_space<vmem>> -> memref<1024xf32, #tpu.memory_space<vmem>>
      tpu.enqueue_dma source(%dma_start3A_64 : memref<1024xf32, #tpu.memory_space<vmem>>) target(%dma_start3A_61 : memref<1024xf32, #tpu.memory_space<hbm>>) target_semaphore(%arg7 : memref<!tpu.dma_semaphore, #tpu.memory_space<semaphore_mem>>)
      %slice3A_65 = vector.extract_strided_slice %get3A_21 {offsets = [1], sizes = [1], strides = [1]} : vector<16xi32> to vector<1xi32>
      %squeeze3A_66 = vector.extract %slice3A_65[0] : i32 from vector<1xi32>
      %add3A_67 = arith.constant 1 : i32
      %add3A_68 = arith.addi %add3A_17, %add3A_67 : i32
      %jit3A_69 = arith.constant 1024 : i32
      %div3A_70 = arith.divsi %add3A_68, %jit3A_69 : i32
      %sign3A_71 = arith.constant 0 : i32
      %sign3A_72 = arith.cmpi sgt, %add3A_68, %sign3A_71 : i32
      %sign3A_73 = arith.extui %sign3A_72 : i1 to i32
      %sign3A_74 = arith.constant 0 : i32
      %sign3A_75 = arith.cmpi slt, %add3A_68, %sign3A_74 : i32
      %sign3A_76 = arith.extui %sign3A_75 : i1 to i32
      %sign3A_77 = arith.subi %sign3A_73, %sign3A_76 : i32
      %sign3A_78 = arith.constant 0 : i32
      %sign3A_79 = arith.cmpi sgt, %jit3A_69, %sign3A_78 : i32
      %sign3A_80 = arith.extui %sign3A_79 : i1 to i32
      %sign3A_81 = arith.constant 0 : i32
      %sign3A_82 = arith.cmpi slt, %jit3A_69, %sign3A_81 : i32
      %sign3A_83 = arith.extui %sign3A_82 : i1 to i32
      %sign3A_84 = arith.subi %sign3A_80, %sign3A_83 : i32
      %ne3A_85 = arith.cmpi ne, %sign3A_77, %sign3A_84 : i32
      %rem3A_86 = arith.remsi %add3A_68, %jit3A_69 : i32
      %ne3A_87 = arith.constant 0 : i32
      %ne3A_88 = arith.cmpi ne, %rem3A_86, %ne3A_87 : i32
      %and3A_89 = arith.andi %ne3A_85, %ne3A_88 : i1
      %sub3A_90 = arith.constant 1 : i32
      %sub3A_91 = arith.subi %div3A_70, %sub3A_90 : i32
      %select_n3A_92 = arith.select %and3A_89, %sub3A_91, %div3A_70 : i32
      %jit3A_93 = arith.constant 1024 : i32
      %eq3A_94 = arith.constant 0 : i32
      %eq3A_95 = arith.cmpi eq, %jit3A_93, %eq3A_94 : i32
      %jit3A_96 = arith.constant 1 : i32
      %select_n3A_97 = arith.select %eq3A_95, %jit3A_96, %jit3A_93 : i32
      %rem3A_98 = arith.remsi %add3A_68, %select_n3A_97 : i32
      %ne3A_99 = arith.constant 0 : i32
      %ne3A_100 = arith.cmpi ne, %rem3A_98, %ne3A_99 : i32
      %lt3A_101 = arith.constant 0 : i32
      %lt3A_102 = arith.cmpi slt, %rem3A_98, %lt3A_101 : i32
      %lt3A_103 = arith.constant 0 : i32
      %lt3A_104 = arith.cmpi slt, %select_n3A_97, %lt3A_103 : i32
      %ne3A_105 = arith.xori %lt3A_102, %lt3A_104 : i1
      %and3A_106 = arith.andi %ne3A_105, %ne3A_100 : i1
      %add3A_107 = arith.addi %rem3A_98, %select_n3A_97 : i32
      %select_n3A_108 = arith.select %and3A_106, %add3A_107, %rem3A_98 : i32
      %dma_start3A_109 = arith.constant 0 : i32
      %dma_start3A_110 = tpu.memref_slice %arg5[%squeeze3A_66, %dma_start3A_109] : memref<100x1024xf32, #tpu.memory_space<vmem>> -> memref<1x1024xf32, #tpu.memory_space<vmem>>
      %dma_start3A_111 = tpu.memref_squeeze %dma_start3A_110 : memref<1x1024xf32, #tpu.memory_space<vmem>> -> memref<1024xf32, #tpu.memory_space<vmem>>
      %dma_start3A_112 = arith.constant 0 : i32
      %dma_start3A_113 = tpu.memref_slice %arg4[%select_n3A_92, %select_n3A_108, %dma_start3A_112] : memref<100x1024x1024xf32, #tpu.memory_space<hbm>> -> memref<1x1x1024xf32, #tpu.memory_space<hbm>>
      %dma_start3A_114 = tpu.memref_squeeze %dma_start3A_113 : memref<1x1x1024xf32, #tpu.memory_space<hbm>> -> memref<1024xf32, #tpu.memory_space<hbm>>
      %dma_start3A_115 = arith.constant 0 : i32
      %dma_start3A_116 = tpu.memref_slice %arg4[%select_n3A_92, %select_n3A_108, %dma_start3A_115] : memref<100x1024x1024xf32, #tpu.memory_space<hbm>> -> memref<1x1x1024xf32, #tpu.memory_space<hbm>>
      %dma_start3A_117 = tpu.memref_squeeze %dma_start3A_116 : memref<1x1x1024xf32, #tpu.memory_space<hbm>> -> memref<1024xf32, #tpu.memory_space<hbm>>
      %dma_start3A_118 = arith.constant 0 : i32
      %dma_start3A_119 = tpu.memref_slice %arg5[%squeeze3A_66, %dma_start3A_118] : memref<100x1024xf32, #tpu.memory_space<vmem>> -> memref<1x1024xf32, #tpu.memory_space<vmem>>
      %dma_start3A_120 = tpu.memref_squeeze %dma_start3A_119 : memref<1x1024xf32, #tpu.memory_space<vmem>> -> memref<1024xf32, #tpu.memory_space<vmem>>
      tpu.enqueue_dma source(%dma_start3A_120 : memref<1024xf32, #tpu.memory_space<vmem>>) target(%dma_start3A_117 : memref<1024xf32, #tpu.memory_space<hbm>>) target_semaphore(%arg7 : memref<!tpu.dma_semaphore, #tpu.memory_space<semaphore_mem>>)
      %slice3A_121 = vector.extract_strided_slice %get3A_21 {offsets = [2], sizes = [1], strides = [1]} : vector<16xi32> to vector<1xi32>
      %squeeze3A_122 = vector.extract %slice3A_121[0] : i32 from vector<1xi32>
      %add3A_123 = arith.constant 2 : i32
      %add3A_124 = arith.addi %add3A_17, %add3A_123 : i32
      %jit3A_125 = arith.constant 1024 : i32
      %div3A_126 = arith.divsi %add3A_124, %jit3A_125 : i32
      %sign3A_127 = arith.constant 0 : i32
      %sign3A_128 = arith.cmpi sgt, %add3A_124, %sign3A_127 : i32
      %sign3A_129 = arith.extui %sign3A_128 : i1 to i32
      %sign3A_130 = arith.constant 0 : i32
      %sign3A_131 = arith.cmpi slt, %add3A_124, %sign3A_130 : i32
      %sign3A_132 = arith.extui %sign3A_131 : i1 to i32
      %sign3A_133 = arith.subi %sign3A_129, %sign3A_132 : i32
      %sign3A_134 = arith.constant 0 : i32
      %sign3A_135 = arith.cmpi sgt, %jit3A_125, %sign3A_134 : i32
      %sign3A_136 = arith.extui %sign3A_135 : i1 to i32
      %sign3A_137 = arith.constant 0 : i32
      %sign3A_138 = arith.cmpi slt, %jit3A_125, %sign3A_137 : i32
      %sign3A_139 = arith.extui %sign3A_138 : i1 to i32
      %sign3A_140 = arith.subi %sign3A_136, %sign3A_139 : i32
      %ne3A_141 = arith.cmpi ne, %sign3A_133, %sign3A_140 : i32
      %rem3A_142 = arith.remsi %add3A_124, %jit3A_125 : i32
      %ne3A_143 = arith.constant 0 : i32
      %ne3A_144 = arith.cmpi ne, %rem3A_142, %ne3A_143 : i32
      %and3A_145 = arith.andi %ne3A_141, %ne3A_144 : i1
      %sub3A_146 = arith.constant 1 : i32
      %sub3A_147 = arith.subi %div3A_126, %sub3A_146 : i32
      %select_n3A_148 = arith.select %and3A_145, %sub3A_147, %div3A_126 : i32
      %jit3A_149 = arith.constant 1024 : i32
      %eq3A_150 = arith.constant 0 : i32
      %eq3A_151 = arith.cmpi eq, %jit3A_149, %eq3A_150 : i32
      %jit3A_152 = arith.constant 1 : i32
      %select_n3A_153 = arith.select %eq3A_151, %jit3A_152, %jit3A_149 : i32
      %rem3A_154 = arith.remsi %add3A_124, %select_n3A_153 : i32
      %ne3A_155 = arith.constant 0 : i32
      %ne3A_156 = arith.cmpi ne, %rem3A_154, %ne3A_155 : i32
      %lt3A_157 = arith.constant 0 : i32
      %lt3A_158 = arith.cmpi slt, %rem3A_154, %lt3A_157 : i32
      %lt3A_159 = arith.constant 0 : i32
      %lt3A_160 = arith.cmpi slt, %select_n3A_153, %lt3A_159 : i32
      %ne3A_161 = arith.xori %lt3A_158, %lt3A_160 : i1
      %and3A_162 = arith.andi %ne3A_161, %ne3A_156 : i1
      %add3A_163 = arith.addi %rem3A_154, %select_n3A_153 : i32
      %select_n3A_164 = arith.select %and3A_162, %add3A_163, %rem3A_154 : i32
      %dma_start3A_165 = arith.constant 0 : i32
      %dma_start3A_166 = tpu.memref_slice %arg5[%squeeze3A_122, %dma_start3A_165] : memref<100x1024xf32, #tpu.memory_space<vmem>> -> memref<1x1024xf32, #tpu.memory_space<vmem>>
      %dma_start3A_167 = tpu.memref_squeeze %dma_start3A_166 : memref<1x1024xf32, #tpu.memory_space<vmem>> -> memref<1024xf32, #tpu.memory_space<vmem>>
      %dma_start3A_168 = arith.constant 0 : i32
      %dma_start3A_169 = tpu.memref_slice %arg4[%select_n3A_148, %select_n3A_164, %dma_start3A_168] : memref<100x1024x1024xf32, #tpu.memory_space<hbm>> -> memref<1x1x1024xf32, #tpu.memory_space<hbm>>
      %dma_start3A_170 = tpu.memref_squeeze %dma_start3A_169 : memref<1x1x1024xf32, #tpu.memory_space<hbm>> -> memref<1024xf32, #tpu.memory_space<hbm>>
      %dma_start3A_171 = arith.constant 0 : i32
      %dma_start3A_172 = tpu.memref_slice %arg4[%select_n3A_148, %select_n3A_164, %dma_start3A_171] : memref<100x1024x1024xf32, #tpu.memory_space<hbm>> -> memref<1x1x1024xf32, #tpu.memory_space<hbm>>
      %dma_start3A_173 = tpu.memref_squeeze %dma_start3A_172 : memref<1x1x1024xf32, #tpu.memory_space<hbm>> -> memref<1024xf32, #tpu.memory_space<hbm>>
      %dma_start3A_174 = arith.constant 0 : i32
      %dma_start3A_175 = tpu.memref_slice %arg5[%squeeze3A_122, %dma_start3A_174] : memref<100x1024xf32, #tpu.memory_space<vmem>> -> memref<1x1024xf32, #tpu.memory_space<vmem>>
      %dma_start3A_176 = tpu.memref_squeeze %dma_start3A_175 : memref<1x1024xf32, #tpu.memory_space<vmem>> -> memref<1024xf32, #tpu.memory_space<vmem>>
      tpu.enqueue_dma source(%dma_start3A_176 : memref<1024xf32, #tpu.memory_space<vmem>>) target(%dma_start3A_173 : memref<1024xf32, #tpu.memory_space<hbm>>) target_semaphore(%arg7 : memref<!tpu.dma_semaphore, #tpu.memory_space<semaphore_mem>>)
      %slice3A_177 = vector.extract_strided_slice %get3A_21 {offsets = [3], sizes = [1], strides = [1]} : vector<16xi32> to vector<1xi32>
      %squeeze3A_178 = vector.extract %slice3A_177[0] : i32 from vector<1xi32>
      %add3A_179 = arith.constant 3 : i32
      %add3A_180 = arith.addi %add3A_17, %add3A_179 : i32
      %jit3A_181 = arith.constant 1024 : i32
      %div3A_182 = arith.divsi %add3A_180, %jit3A_181 : i32
      %sign3A_183 = arith.constant 0 : i32
      %sign3A_184 = arith.cmpi sgt, %add3A_180, %sign3A_183 : i32
      %sign3A_185 = arith.extui %sign3A_184 : i1 to i32
      %sign3A_186 = arith.constant 0 : i32
      %sign3A_187 = arith.cmpi slt, %add3A_180, %sign3A_186 : i32
      %sign3A_188 = arith.extui %sign3A_187 : i1 to i32
      %sign3A_189 = arith.subi %sign3A_185, %sign3A_188 : i32
      %sign3A_190 = arith.constant 0 : i32
      %sign3A_191 = arith.cmpi sgt, %jit3A_181, %sign3A_190 : i32
      %sign3A_192 = arith.extui %sign3A_191 : i1 to i32
      %sign3A_193 = arith.constant 0 : i32
      %sign3A_194 = arith.cmpi slt, %jit3A_181, %sign3A_193 : i32
      %sign3A_195 = arith.extui %sign3A_194 : i1 to i32
      %sign3A_196 = arith.subi %sign3A_192, %sign3A_195 : i32
      %ne3A_197 = arith.cmpi ne, %sign3A_189, %sign3A_196 : i32
      %rem3A_198 = arith.remsi %add3A_180, %jit3A_181 : i32
      %ne3A_199 = arith.constant 0 : i32
      %ne3A_200 = arith.cmpi ne, %rem3A_198, %ne3A_199 : i32
      %and3A_201 = arith.andi %ne3A_197, %ne3A_200 : i1
      %sub3A_202 = arith.constant 1 : i32
      %sub3A_203 = arith.subi %div3A_182, %sub3A_202 : i32
      %select_n3A_204 = arith.select %and3A_201, %sub3A_203, %div3A_182 : i32
      %jit3A_205 = arith.constant 1024 : i32
      %eq3A_206 = arith.constant 0 : i32
      %eq3A_207 = arith.cmpi eq, %jit3A_205, %eq3A_206 : i32
      %jit3A_208 = arith.constant 1 : i32
      %select_n3A_209 = arith.select %eq3A_207, %jit3A_208, %jit3A_205 : i32
      %rem3A_210 = arith.remsi %add3A_180, %select_n3A_209 : i32
      %ne3A_211 = arith.constant 0 : i32
      %ne3A_212 = arith.cmpi ne, %rem3A_210, %ne3A_211 : i32
      %lt3A_213 = arith.constant 0 : i32
      %lt3A_214 = arith.cmpi slt, %rem3A_210, %lt3A_213 : i32
      %lt3A_215 = arith.constant 0 : i32
      %lt3A_216 = arith.cmpi slt, %select_n3A_209, %lt3A_215 : i32
      %ne3A_217 = arith.xori %lt3A_214, %lt3A_216 : i1
      %and3A_218 = arith.andi %ne3A_217, %ne3A_212 : i1
      %add3A_219 = arith.addi %rem3A_210, %select_n3A_209 : i32
      %select_n3A_220 = arith.select %and3A_218, %add3A_219, %rem3A_210 : i32
      %dma_start3A_221 = arith.constant 0 : i32
      %dma_start3A_222 = tpu.memref_slice %arg5[%squeeze3A_178, %dma_start3A_221] : memref<100x1024xf32, #tpu.memory_space<vmem>> -> memref<1x1024xf32, #tpu.memory_space<vmem>>
      %dma_start3A_223 = tpu.memref_squeeze %dma_start3A_222 : memref<1x1024xf32, #tpu.memory_space<vmem>> -> memref<1024xf32, #tpu.memory_space<vmem>>
      %dma_start3A_224 = arith.constant 0 : i32
      %dma_start3A_225 = tpu.memref_slice %arg4[%select_n3A_204, %select_n3A_220, %dma_start3A_224] : memref<100x1024x1024xf32, #tpu.memory_space<hbm>> -> memref<1x1x1024xf32, #tpu.memory_space<hbm>>
      %dma_start3A_226 = tpu.memref_squeeze %dma_start3A_225 : memref<1x1x1024xf32, #tpu.memory_space<hbm>> -> memref<1024xf32, #tpu.memory_space<hbm>>
      %dma_start3A_227 = arith.constant 0 : i32
      %dma_start3A_228 = tpu.memref_slice %arg4[%select_n3A_204, %select_n3A_220, %dma_start3A_227] : memref<100x1024x1024xf32, #tpu.memory_space<hbm>> -> memref<1x1x1024xf32, #tpu.memory_space<hbm>>
      %dma_start3A_229 = tpu.memref_squeeze %dma_start3A_228 : memref<1x1x1024xf32, #tpu.memory_space<hbm>> -> memref<1024xf32, #tpu.memory_space<hbm>>
      %dma_start3A_230 = arith.constant 0 : i32
      %dma_start3A_231 = tpu.memref_slice %arg5[%squeeze3A_178, %dma_start3A_230] : memref<100x1024xf32, #tpu.memory_space<vmem>> -> memref<1x1024xf32, #tpu.memory_space<vmem>>
      %dma_start3A_232 = tpu.memref_squeeze %dma_start3A_231 : memref<1x1024xf32, #tpu.memory_space<vmem>> -> memref<1024xf32, #tpu.memory_space<vmem>>
      tpu.enqueue_dma source(%dma_start3A_232 : memref<1024xf32, #tpu.memory_space<vmem>>) target(%dma_start3A_229 : memref<1024xf32, #tpu.memory_space<hbm>>) target_semaphore(%arg7 : memref<!tpu.dma_semaphore, #tpu.memory_space<semaphore_mem>>)
      %slice3A_233 = vector.extract_strided_slice %get3A_21 {offsets = [4], sizes = [1], strides = [1]} : vector<16xi32> to vector<1xi32>
      %squeeze3A_234 = vector.extract %slice3A_233[0] : i32 from vector<1xi32>
      %add3A_235 = arith.constant 4 : i32
      %add3A_236 = arith.addi %add3A_17, %add3A_235 : i32
      %jit3A_237 = arith.constant 1024 : i32
      %div3A_238 = arith.divsi %add3A_236, %jit3A_237 : i32
      %sign3A_239 = arith.constant 0 : i32
      %sign3A_240 = arith.cmpi sgt, %add3A_236, %sign3A_239 : i32
      %sign3A_241 = arith.extui %sign3A_240 : i1 to i32
      %sign3A_242 = arith.constant 0 : i32
      %sign3A_243 = arith.cmpi slt, %add3A_236, %sign3A_242 : i32
      %sign3A_244 = arith.extui %sign3A_243 : i1 to i32
      %sign3A_245 = arith.subi %sign3A_241, %sign3A_244 : i32
      %sign3A_246 = arith.constant 0 : i32
      %sign3A_247 = arith.cmpi sgt, %jit3A_237, %sign3A_246 : i32
      %sign3A_248 = arith.extui %sign3A_247 : i1 to i32
      %sign3A_249 = arith.constant 0 : i32
      %sign3A_250 = arith.cmpi slt, %jit3A_237, %sign3A_249 : i32
      %sign3A_251 = arith.extui %sign3A_250 : i1 to i32
      %sign3A_252 = arith.subi %sign3A_248, %sign3A_251 : i32
      %ne3A_253 = arith.cmpi ne, %sign3A_245, %sign3A_252 : i32
      %rem3A_254 = arith.remsi %add3A_236, %jit3A_237 : i32
      %ne3A_255 = arith.constant 0 : i32
      %ne3A_256 = arith.cmpi ne, %rem3A_254, %ne3A_255 : i32
      %and3A_257 = arith.andi %ne3A_253, %ne3A_256 : i1
      %sub3A_258 = arith.constant 1 : i32
      %sub3A_259 = arith.subi %div3A_238, %sub3A_258 : i32
      %select_n3A_260 = arith.select %and3A_257, %sub3A_259, %div3A_238 : i32
      %jit3A_261 = arith.constant 1024 : i32
      %eq3A_262 = arith.constant 0 : i32
      %eq3A_263 = arith.cmpi eq, %jit3A_261, %eq3A_262 : i32
      %jit3A_264 = arith.constant 1 : i32
      %select_n3A_265 = arith.select %eq3A_263, %jit3A_264, %jit3A_261 : i32
      %rem3A_266 = arith.remsi %add3A_236, %select_n3A_265 : i32
      %ne3A_267 = arith.constant 0 : i32
      %ne3A_268 = arith.cmpi ne, %rem3A_266, %ne3A_267 : i32
      %lt3A_269 = arith.constant 0 : i32
      %lt3A_270 = arith.cmpi slt, %rem3A_266, %lt3A_269 : i32
      %lt3A_271 = arith.constant 0 : i32
      %lt3A_272 = arith.cmpi slt, %select_n3A_265, %lt3A_271 : i32
      %ne3A_273 = arith.xori %lt3A_270, %lt3A_272 : i1
      %and3A_274 = arith.andi %ne3A_273, %ne3A_268 : i1
      %add3A_275 = arith.addi %rem3A_266, %select_n3A_265 : i32
      %select_n3A_276 = arith.select %and3A_274, %add3A_275, %rem3A_266 : i32
      %dma_start3A_277 = arith.constant 0 : i32
      %dma_start3A_278 = tpu.memref_slice %arg5[%squeeze3A_234, %dma_start3A_277] : memref<100x1024xf32, #tpu.memory_space<vmem>> -> memref<1x1024xf32, #tpu.memory_space<vmem>>
      %dma_start3A_279 = tpu.memref_squeeze %dma_start3A_278 : memref<1x1024xf32, #tpu.memory_space<vmem>> -> memref<1024xf32, #tpu.memory_space<vmem>>
      %dma_start3A_280 = arith.constant 0 : i32
      %dma_start3A_281 = tpu.memref_slice %arg4[%select_n3A_260, %select_n3A_276, %dma_start3A_280] : memref<100x1024x1024xf32, #tpu.memory_space<hbm>> -> memref<1x1x1024xf32, #tpu.memory_space<hbm>>
      %dma_start3A_282 = tpu.memref_squeeze %dma_start3A_281 : memref<1x1x1024xf32, #tpu.memory_space<hbm>> -> memref<1024xf32, #tpu.memory_space<hbm>>
      %dma_start3A_283 = arith.constant 0 : i32
      %dma_start3A_284 = tpu.memref_slice %arg4[%select_n3A_260, %select_n3A_276, %dma_start3A_283] : memref<100x1024x1024xf32, #tpu.memory_space<hbm>> -> memref<1x1x1024xf32, #tpu.memory_space<hbm>>
      %dma_start3A_285 = tpu.memref_squeeze %dma_start3A_284 : memref<1x1x1024xf32, #tpu.memory_space<hbm>> -> memref<1024xf32, #tpu.memory_space<hbm>>
      %dma_start3A_286 = arith.constant 0 : i32
      %dma_start3A_287 = tpu.memref_slice %arg5[%squeeze3A_234, %dma_start3A_286] : memref<100x1024xf32, #tpu.memory_space<vmem>> -> memref<1x1024xf32, #tpu.memory_space<vmem>>
      %dma_start3A_288 = tpu.memref_squeeze %dma_start3A_287 : memref<1x1024xf32, #tpu.memory_space<vmem>> -> memref<1024xf32, #tpu.memory_space<vmem>>
      tpu.enqueue_dma source(%dma_start3A_288 : memref<1024xf32, #tpu.memory_space<vmem>>) target(%dma_start3A_285 : memref<1024xf32, #tpu.memory_space<hbm>>) target_semaphore(%arg7 : memref<!tpu.dma_semaphore, #tpu.memory_space<semaphore_mem>>)
      %slice3A_289 = vector.extract_strided_slice %get3A_21 {offsets = [5], sizes = [1], strides = [1]} : vector<16xi32> to vector<1xi32>
      %squeeze3A_290 = vector.extract %slice3A_289[0] : i32 from vector<1xi32>
      %add3A_291 = arith.constant 5 : i32
      %add3A_292 = arith.addi %add3A_17, %add3A_291 : i32
      %jit3A_293 = arith.constant 1024 : i32
      %div3A_294 = arith.divsi %add3A_292, %jit3A_293 : i32
      %sign3A_295 = arith.constant 0 : i32
      %sign3A_296 = arith.cmpi sgt, %add3A_292, %sign3A_295 : i32
      %sign3A_297 = arith.extui %sign3A_296 : i1 to i32
      %sign3A_298 = arith.constant 0 : i32
      %sign3A_299 = arith.cmpi slt, %add3A_292, %sign3A_298 : i32
      %sign3A_300 = arith.extui %sign3A_299 : i1 to i32
      %sign3A_301 = arith.subi %sign3A_297, %sign3A_300 : i32
      %sign3A_302 = arith.constant 0 : i32
      %sign3A_303 = arith.cmpi sgt, %jit3A_293, %sign3A_302 : i32
      %sign3A_304 = arith.extui %sign3A_303 : i1 to i32
      %sign3A_305 = arith.constant 0 : i32
      %sign3A_306 = arith.cmpi slt, %jit3A_293, %sign3A_305 : i32
      %sign3A_307 = arith.extui %sign3A_306 : i1 to i32
      %sign3A_308 = arith.subi %sign3A_304, %sign3A_307 : i32
      %ne3A_309 = arith.cmpi ne, %sign3A_301, %sign3A_308 : i32
      %rem3A_310 = arith.remsi %add3A_292, %jit3A_293 : i32
      %ne3A_311 = arith.constant 0 : i32
      %ne3A_312 = arith.cmpi ne, %rem3A_310, %ne3A_311 : i32
      %and3A_313 = arith.andi %ne3A_309, %ne3A_312 : i1
      %sub3A_314 = arith.constant 1 : i32
      %sub3A_315 = arith.subi %div3A_294, %sub3A_314 : i32
      %select_n3A_316 = arith.select %and3A_313, %sub3A_315, %div3A_294 : i32
      %jit3A_317 = arith.constant 1024 : i32
      %eq3A_318 = arith.constant 0 : i32
      %eq3A_319 = arith.cmpi eq, %jit3A_317, %eq3A_318 : i32
      %jit3A_320 = arith.constant 1 : i32
      %select_n3A_321 = arith.select %eq3A_319, %jit3A_320, %jit3A_317 : i32
      %rem3A_322 = arith.remsi %add3A_292, %select_n3A_321 : i32
      %ne3A_323 = arith.constant 0 : i32
      %ne3A_324 = arith.cmpi ne, %rem3A_322, %ne3A_323 : i32
      %lt3A_325 = arith.constant 0 : i32
      %lt3A_326 = arith.cmpi slt, %rem3A_322, %lt3A_325 : i32
      %lt3A_327 = arith.constant 0 : i32
      %lt3A_328 = arith.cmpi slt, %select_n3A_321, %lt3A_327 : i32
      %ne3A_329 = arith.xori %lt3A_326, %lt3A_328 : i1
      %and3A_330 = arith.andi %ne3A_329, %ne3A_324 : i1
      %add3A_331 = arith.addi %rem3A_322, %select_n3A_321 : i32
      %select_n3A_332 = arith.select %and3A_330, %add3A_331, %rem3A_322 : i32
      %dma_start3A_333 = arith.constant 0 : i32
      %dma_start3A_334 = tpu.memref_slice %arg5[%squeeze3A_290, %dma_start3A_333] : memref<100x1024xf32, #tpu.memory_space<vmem>> -> memref<1x1024xf32, #tpu.memory_space<vmem>>
      %dma_start3A_335 = tpu.memref_squeeze %dma_start3A_334 : memref<1x1024xf32, #tpu.memory_space<vmem>> -> memref<1024xf32, #tpu.memory_space<vmem>>
      %dma_start3A_336 = arith.constant 0 : i32
      %dma_start3A_337 = tpu.memref_slice %arg4[%select_n3A_316, %select_n3A_332, %dma_start3A_336] : memref<100x1024x1024xf32, #tpu.memory_space<hbm>> -> memref<1x1x1024xf32, #tpu.memory_space<hbm>>
      %dma_start3A_338 = tpu.memref_squeeze %dma_start3A_337 : memref<1x1x1024xf32, #tpu.memory_space<hbm>> -> memref<1024xf32, #tpu.memory_space<hbm>>
      %dma_start3A_339 = arith.constant 0 : i32
      %dma_start3A_340 = tpu.memref_slice %arg4[%select_n3A_316, %select_n3A_332, %dma_start3A_339] : memref<100x1024x1024xf32, #tpu.memory_space<hbm>> -> memref<1x1x1024xf32, #tpu.memory_space<hbm>>
      %dma_start3A_341 = tpu.memref_squeeze %dma_start3A_340 : memref<1x1x1024xf32, #tpu.memory_space<hbm>> -> memref<1024xf32, #tpu.memory_space<hbm>>
      %dma_start3A_342 = arith.constant 0 : i32
      %dma_start3A_343 = tpu.memref_slice %arg5[%squeeze3A_290, %dma_start3A_342] : memref<100x1024xf32, #tpu.memory_space<vmem>> -> memref<1x1024xf32, #tpu.memory_space<vmem>>
      %dma_start3A_344 = tpu.memref_squeeze %dma_start3A_343 : memref<1x1024xf32, #tpu.memory_space<vmem>> -> memref<1024xf32, #tpu.memory_space<vmem>>
      tpu.enqueue_dma source(%dma_start3A_344 : memref<1024xf32, #tpu.memory_space<vmem>>) target(%dma_start3A_341 : memref<1024xf32, #tpu.memory_space<hbm>>) target_semaphore(%arg7 : memref<!tpu.dma_semaphore, #tpu.memory_space<semaphore_mem>>)
      %slice3A_345 = vector.extract_strided_slice %get3A_21 {offsets = [6], sizes = [1], strides = [1]} : vector<16xi32> to vector<1xi32>
      %squeeze3A_346 = vector.extract %slice3A_345[0] : i32 from vector<1xi32>
      %add3A_347 = arith.constant 6 : i32
      %add3A_348 = arith.addi %add3A_17, %add3A_347 : i32
      %jit3A_349 = arith.constant 1024 : i32
      %div3A_350 = arith.divsi %add3A_348, %jit3A_349 : i32
      %sign3A_351 = arith.constant 0 : i32
      %sign3A_352 = arith.cmpi sgt, %add3A_348, %sign3A_351 : i32
      %sign3A_353 = arith.extui %sign3A_352 : i1 to i32
      %sign3A_354 = arith.constant 0 : i32
      %sign3A_355 = arith.cmpi slt, %add3A_348, %sign3A_354 : i32
      %sign3A_356 = arith.extui %sign3A_355 : i1 to i32
      %sign3A_357 = arith.subi %sign3A_353, %sign3A_356 : i32
      %sign3A_358 = arith.constant 0 : i32
      %sign3A_359 = arith.cmpi sgt, %jit3A_349, %sign3A_358 : i32
      %sign3A_360 = arith.extui %sign3A_359 : i1 to i32
      %sign3A_361 = arith.constant 0 : i32
      %sign3A_362 = arith.cmpi slt, %jit3A_349, %sign3A_361 : i32
      %sign3A_363 = arith.extui %sign3A_362 : i1 to i32
      %sign3A_364 = arith.subi %sign3A_360, %sign3A_363 : i32
      %ne3A_365 = arith.cmpi ne, %sign3A_357, %sign3A_364 : i32
      %rem3A_366 = arith.remsi %add3A_348, %jit3A_349 : i32
      %ne3A_367 = arith.constant 0 : i32
      %ne3A_368 = arith.cmpi ne, %rem3A_366, %ne3A_367 : i32
      %and3A_369 = arith.andi %ne3A_365, %ne3A_368 : i1
      %sub3A_370 = arith.constant 1 : i32
      %sub3A_371 = arith.subi %div3A_350, %sub3A_370 : i32
      %select_n3A_372 = arith.select %and3A_369, %sub3A_371, %div3A_350 : i32
      %jit3A_373 = arith.constant 1024 : i32
      %eq3A_374 = arith.constant 0 : i32
      %eq3A_375 = arith.cmpi eq, %jit3A_373, %eq3A_374 : i32
      %jit3A_376 = arith.constant 1 : i32
      %select_n3A_377 = arith.select %eq3A_375, %jit3A_376, %jit3A_373 : i32
      %rem3A_378 = arith.remsi %add3A_348, %select_n3A_377 : i32
      %ne3A_379 = arith.constant 0 : i32
      %ne3A_380 = arith.cmpi ne, %rem3A_378, %ne3A_379 : i32
      %lt3A_381 = arith.constant 0 : i32
      %lt3A_382 = arith.cmpi slt, %rem3A_378, %lt3A_381 : i32
      %lt3A_383 = arith.constant 0 : i32
      %lt3A_384 = arith.cmpi slt, %select_n3A_377, %lt3A_383 : i32
      %ne3A_385 = arith.xori %lt3A_382, %lt3A_384 : i1
      %and3A_386 = arith.andi %ne3A_385, %ne3A_380 : i1
      %add3A_387 = arith.addi %rem3A_378, %select_n3A_377 : i32
      %select_n3A_388 = arith.select %and3A_386, %add3A_387, %rem3A_378 : i32
      %dma_start3A_389 = arith.constant 0 : i32
      %dma_start3A_390 = tpu.memref_slice %arg5[%squeeze3A_346, %dma_start3A_389] : memref<100x1024xf32, #tpu.memory_space<vmem>> -> memref<1x1024xf32, #tpu.memory_space<vmem>>
      %dma_start3A_391 = tpu.memref_squeeze %dma_start3A_390 : memref<1x1024xf32, #tpu.memory_space<vmem>> -> memref<1024xf32, #tpu.memory_space<vmem>>
      %dma_start3A_392 = arith.constant 0 : i32
      %dma_start3A_393 = tpu.memref_slice %arg4[%select_n3A_372, %select_n3A_388, %dma_start3A_392] : memref<100x1024x1024xf32, #tpu.memory_space<hbm>> -> memref<1x1x1024xf32, #tpu.memory_space<hbm>>
      %dma_start3A_394 = tpu.memref_squeeze %dma_start3A_393 : memref<1x1x1024xf32, #tpu.memory_space<hbm>> -> memref<1024xf32, #tpu.memory_space<hbm>>
      %dma_start3A_395 = arith.constant 0 : i32
      %dma_start3A_396 = tpu.memref_slice %arg4[%select_n3A_372, %select_n3A_388, %dma_start3A_395] : memref<100x1024x1024xf32, #tpu.memory_space<hbm>> -> memref<1x1x1024xf32, #tpu.memory_space<hbm>>
      %dma_start3A_397 = tpu.memref_squeeze %dma_start3A_396 : memref<1x1x1024xf32, #tpu.memory_space<hbm>> -> memref<1024xf32, #tpu.memory_space<hbm>>
      %dma_start3A_398 = arith.constant 0 : i32
      %dma_start3A_399 = tpu.memref_slice %arg5[%squeeze3A_346, %dma_start3A_398] : memref<100x1024xf32, #tpu.memory_space<vmem>> -> memref<1x1024xf32, #tpu.memory_space<vmem>>
      %dma_start3A_400 = tpu.memref_squeeze %dma_start3A_399 : memref<1x1024xf32, #tpu.memory_space<vmem>> -> memref<1024xf32, #tpu.memory_space<vmem>>
      tpu.enqueue_dma source(%dma_start3A_400 : memref<1024xf32, #tpu.memory_space<vmem>>) target(%dma_start3A_397 : memref<1024xf32, #tpu.memory_space<hbm>>) target_semaphore(%arg7 : memref<!tpu.dma_semaphore, #tpu.memory_space<semaphore_mem>>)
      %slice3A_401 = vector.extract_strided_slice %get3A_21 {offsets = [7], sizes = [1], strides = [1]} : vector<16xi32> to vector<1xi32>
      %squeeze3A_402 = vector.extract %slice3A_401[0] : i32 from vector<1xi32>
      %add3A_403 = arith.constant 7 : i32
      %add3A_404 = arith.addi %add3A_17, %add3A_403 : i32
      %jit3A_405 = arith.constant 1024 : i32
      %div3A_406 = arith.divsi %add3A_404, %jit3A_405 : i32
      %sign3A_407 = arith.constant 0 : i32
      %sign3A_408 = arith.cmpi sgt, %add3A_404, %sign3A_407 : i32
      %sign3A_409 = arith.extui %sign3A_408 : i1 to i32
      %sign3A_410 = arith.constant 0 : i32
      %sign3A_411 = arith.cmpi slt, %add3A_404, %sign3A_410 : i32
      %sign3A_412 = arith.extui %sign3A_411 : i1 to i32
      %sign3A_413 = arith.subi %sign3A_409, %sign3A_412 : i32
      %sign3A_414 = arith.constant 0 : i32
      %sign3A_415 = arith.cmpi sgt, %jit3A_405, %sign3A_414 : i32
      %sign3A_416 = arith.extui %sign3A_415 : i1 to i32
      %sign3A_417 = arith.constant 0 : i32
      %sign3A_418 = arith.cmpi slt, %jit3A_405, %sign3A_417 : i32
      %sign3A_419 = arith.extui %sign3A_418 : i1 to i32
      %sign3A_420 = arith.subi %sign3A_416, %sign3A_419 : i32
      %ne3A_421 = arith.cmpi ne, %sign3A_413, %sign3A_420 : i32
      %rem3A_422 = arith.remsi %add3A_404, %jit3A_405 : i32
      %ne3A_423 = arith.constant 0 : i32
      %ne3A_424 = arith.cmpi ne, %rem3A_422, %ne3A_423 : i32
      %and3A_425 = arith.andi %ne3A_421, %ne3A_424 : i1
      %sub3A_426 = arith.constant 1 : i32
      %sub3A_427 = arith.subi %div3A_406, %sub3A_426 : i32
      %select_n3A_428 = arith.select %and3A_425, %sub3A_427, %div3A_406 : i32
      %jit3A_429 = arith.constant 1024 : i32
      %eq3A_430 = arith.constant 0 : i32
      %eq3A_431 = arith.cmpi eq, %jit3A_429, %eq3A_430 : i32
      %jit3A_432 = arith.constant 1 : i32
      %select_n3A_433 = arith.select %eq3A_431, %jit3A_432, %jit3A_429 : i32
      %rem3A_434 = arith.remsi %add3A_404, %select_n3A_433 : i32
      %ne3A_435 = arith.constant 0 : i32
      %ne3A_436 = arith.cmpi ne, %rem3A_434, %ne3A_435 : i32
      %lt3A_437 = arith.constant 0 : i32
      %lt3A_438 = arith.cmpi slt, %rem3A_434, %lt3A_437 : i32
      %lt3A_439 = arith.constant 0 : i32
      %lt3A_440 = arith.cmpi slt, %select_n3A_433, %lt3A_439 : i32
      %ne3A_441 = arith.xori %lt3A_438, %lt3A_440 : i1
      %and3A_442 = arith.andi %ne3A_441, %ne3A_436 : i1
      %add3A_443 = arith.addi %rem3A_434, %select_n3A_433 : i32
      %select_n3A_444 = arith.select %and3A_442, %add3A_443, %rem3A_434 : i32
      %dma_start3A_445 = arith.constant 0 : i32
      %dma_start3A_446 = tpu.memref_slice %arg5[%squeeze3A_402, %dma_start3A_445] : memref<100x1024xf32, #tpu.memory_space<vmem>> -> memref<1x1024xf32, #tpu.memory_space<vmem>>
      %dma_start3A_447 = tpu.memref_squeeze %dma_start3A_446 : memref<1x1024xf32, #tpu.memory_space<vmem>> -> memref<1024xf32, #tpu.memory_space<vmem>>
      %dma_start3A_448 = arith.constant 0 : i32
      %dma_start3A_449 = tpu.memref_slice %arg4[%select_n3A_428, %select_n3A_444, %dma_start3A_448] : memref<100x1024x1024xf32, #tpu.memory_space<hbm>> -> memref<1x1x1024xf32, #tpu.memory_space<hbm>>
      %dma_start3A_450 = tpu.memref_squeeze %dma_start3A_449 : memref<1x1x1024xf32, #tpu.memory_space<hbm>> -> memref<1024xf32, #tpu.memory_space<hbm>>
      %dma_start3A_451 = arith.constant 0 : i32
      %dma_start3A_452 = tpu.memref_slice %arg4[%select_n3A_428, %select_n3A_444, %dma_start3A_451] : memref<100x1024x1024xf32, #tpu.memory_space<hbm>> -> memref<1x1x1024xf32, #tpu.memory_space<hbm>>
      %dma_start3A_453 = tpu.memref_squeeze %dma_start3A_452 : memref<1x1x1024xf32, #tpu.memory_space<hbm>> -> memref<1024xf32, #tpu.memory_space<hbm>>
      %dma_start3A_454 = arith.constant 0 : i32
      %dma_start3A_455 = tpu.memref_slice %arg5[%squeeze3A_402, %dma_start3A_454] : memref<100x1024xf32, #tpu.memory_space<vmem>> -> memref<1x1024xf32, #tpu.memory_space<vmem>>
      %dma_start3A_456 = tpu.memref_squeeze %dma_start3A_455 : memref<1x1024xf32, #tpu.memory_space<vmem>> -> memref<1024xf32, #tpu.memory_space<vmem>>
      tpu.enqueue_dma source(%dma_start3A_456 : memref<1024xf32, #tpu.memory_space<vmem>>) target(%dma_start3A_453 : memref<1024xf32, #tpu.memory_space<hbm>>) target_semaphore(%arg7 : memref<!tpu.dma_semaphore, #tpu.memory_space<semaphore_mem>>)
      %slice3A_457 = vector.extract_strided_slice %get3A_21 {offsets = [8], sizes = [1], strides = [1]} : vector<16xi32> to vector<1xi32>
      %squeeze3A_458 = vector.extract %slice3A_457[0] : i32 from vector<1xi32>
      %add3A_459 = arith.constant 8 : i32
      %add3A_460 = arith.addi %add3A_17, %add3A_459 : i32
      %jit3A_461 = arith.constant 1024 : i32
      %div3A_462 = arith.divsi %add3A_460, %jit3A_461 : i32
      %sign3A_463 = arith.constant 0 : i32
      %sign3A_464 = arith.cmpi sgt, %add3A_460, %sign3A_463 : i32
      %sign3A_465 = arith.extui %sign3A_464 : i1 to i32
      %sign3A_466 = arith.constant 0 : i32
      %sign3A_467 = arith.cmpi slt, %add3A_460, %sign3A_466 : i32
      %sign3A_468 = arith.extui %sign3A_467 : i1 to i32
      %sign3A_469 = arith.subi %sign3A_465, %sign3A_468 : i32
      %sign3A_470 = arith.constant 0 : i32
      %sign3A_471 = arith.cmpi sgt, %jit3A_461, %sign3A_470 : i32
      %sign3A_472 = arith.extui %sign3A_471 : i1 to i32
      %sign3A_473 = arith.constant 0 : i32
      %sign3A_474 = arith.cmpi slt, %jit3A_461, %sign3A_473 : i32
      %sign3A_475 = arith.extui %sign3A_474 : i1 to i32
      %sign3A_476 = arith.subi %sign3A_472, %sign3A_475 : i32
      %ne3A_477 = arith.cmpi ne, %sign3A_469, %sign3A_476 : i32
      %rem3A_478 = arith.remsi %add3A_460, %jit3A_461 : i32
      %ne3A_479 = arith.constant 0 : i32
      %ne3A_480 = arith.cmpi ne, %rem3A_478, %ne3A_479 : i32
      %and3A_481 = arith.andi %ne3A_477, %ne3A_480 : i1
      %sub3A_482 = arith.constant 1 : i32
      %sub3A_483 = arith.subi %div3A_462, %sub3A_482 : i32
      %select_n3A_484 = arith.select %and3A_481, %sub3A_483, %div3A_462 : i32
      %jit3A_485 = arith.constant 1024 : i32
      %eq3A_486 = arith.constant 0 : i32
      %eq3A_487 = arith.cmpi eq, %jit3A_485, %eq3A_486 : i32
      %jit3A_488 = arith.constant 1 : i32
      %select_n3A_489 = arith.select %eq3A_487, %jit3A_488, %jit3A_485 : i32
      %rem3A_490 = arith.remsi %add3A_460, %select_n3A_489 : i32
      %ne3A_491 = arith.constant 0 : i32
      %ne3A_492 = arith.cmpi ne, %rem3A_490, %ne3A_491 : i32
      %lt3A_493 = arith.constant 0 : i32
      %lt3A_494 = arith.cmpi slt, %rem3A_490, %lt3A_493 : i32
      %lt3A_495 = arith.constant 0 : i32
      %lt3A_496 = arith.cmpi slt, %select_n3A_489, %lt3A_495 : i32
      %ne3A_497 = arith.xori %lt3A_494, %lt3A_496 : i1
      %and3A_498 = arith.andi %ne3A_497, %ne3A_492 : i1
      %add3A_499 = arith.addi %rem3A_490, %select_n3A_489 : i32
      %select_n3A_500 = arith.select %and3A_498, %add3A_499, %rem3A_490 : i32
      %dma_start3A_501 = arith.constant 0 : i32
      %dma_start3A_502 = tpu.memref_slice %arg5[%squeeze3A_458, %dma_start3A_501] : memref<100x1024xf32, #tpu.memory_space<vmem>> -> memref<1x1024xf32, #tpu.memory_space<vmem>>
      %dma_start3A_503 = tpu.memref_squeeze %dma_start3A_502 : memref<1x1024xf32, #tpu.memory_space<vmem>> -> memref<1024xf32, #tpu.memory_space<vmem>>
      %dma_start3A_504 = arith.constant 0 : i32
      %dma_start3A_505 = tpu.memref_slice %arg4[%select_n3A_484, %select_n3A_500, %dma_start3A_504] : memref<100x1024x1024xf32, #tpu.memory_space<hbm>> -> memref<1x1x1024xf32, #tpu.memory_space<hbm>>
      %dma_start3A_506 = tpu.memref_squeeze %dma_start3A_505 : memref<1x1x1024xf32, #tpu.memory_space<hbm>> -> memref<1024xf32, #tpu.memory_space<hbm>>
      %dma_start3A_507 = arith.constant 0 : i32
      %dma_start3A_508 = tpu.memref_slice %arg4[%select_n3A_484, %select_n3A_500, %dma_start3A_507] : memref<100x1024x1024xf32, #tpu.memory_space<hbm>> -> memref<1x1x1024xf32, #tpu.memory_space<hbm>>
      %dma_start3A_509 = tpu.memref_squeeze %dma_start3A_508 : memref<1x1x1024xf32, #tpu.memory_space<hbm>> -> memref<1024xf32, #tpu.memory_space<hbm>>
      %dma_start3A_510 = arith.constant 0 : i32
      %dma_start3A_511 = tpu.memref_slice %arg5[%squeeze3A_458, %dma_start3A_510] : memref<100x1024xf32, #tpu.memory_space<vmem>> -> memref<1x1024xf32, #tpu.memory_space<vmem>>
      %dma_start3A_512 = tpu.memref_squeeze %dma_start3A_511 : memref<1x1024xf32, #tpu.memory_space<vmem>> -> memref<1024xf32, #tpu.memory_space<vmem>>
      tpu.enqueue_dma source(%dma_start3A_512 : memref<1024xf32, #tpu.memory_space<vmem>>) target(%dma_start3A_509 : memref<1024xf32, #tpu.memory_space<hbm>>) target_semaphore(%arg7 : memref<!tpu.dma_semaphore, #tpu.memory_space<semaphore_mem>>)
      %slice3A_513 = vector.extract_strided_slice %get3A_21 {offsets = [9], sizes = [1], strides = [1]} : vector<16xi32> to vector<1xi32>
      %squeeze3A_514 = vector.extract %slice3A_513[0] : i32 from vector<1xi32>
      %add3A_515 = arith.constant 9 : i32
      %add3A_516 = arith.addi %add3A_17, %add3A_515 : i32
      %jit3A_517 = arith.constant 1024 : i32
      %div3A_518 = arith.divsi %add3A_516, %jit3A_517 : i32
      %sign3A_519 = arith.constant 0 : i32
      %sign3A_520 = arith.cmpi sgt, %add3A_516, %sign3A_519 : i32
      %sign3A_521 = arith.extui %sign3A_520 : i1 to i32
      %sign3A_522 = arith.constant 0 : i32
      %sign3A_523 = arith.cmpi slt, %add3A_516, %sign3A_522 : i32
      %sign3A_524 = arith.extui %sign3A_523 : i1 to i32
      %sign3A_525 = arith.subi %sign3A_521, %sign3A_524 : i32
      %sign3A_526 = arith.constant 0 : i32
      %sign3A_527 = arith.cmpi sgt, %jit3A_517, %sign3A_526 : i32
      %sign3A_528 = arith.extui %sign3A_527 : i1 to i32
      %sign3A_529 = arith.constant 0 : i32
      %sign3A_530 = arith.cmpi slt, %jit3A_517, %sign3A_529 : i32
      %sign3A_531 = arith.extui %sign3A_530 : i1 to i32
      %sign3A_532 = arith.subi %sign3A_528, %sign3A_531 : i32
      %ne3A_533 = arith.cmpi ne, %sign3A_525, %sign3A_532 : i32
      %rem3A_534 = arith.remsi %add3A_516, %jit3A_517 : i32
      %ne3A_535 = arith.constant 0 : i32
      %ne3A_536 = arith.cmpi ne, %rem3A_534, %ne3A_535 : i32
      %and3A_537 = arith.andi %ne3A_533, %ne3A_536 : i1
      %sub3A_538 = arith.constant 1 : i32
      %sub3A_539 = arith.subi %div3A_518, %sub3A_538 : i32
      %select_n3A_540 = arith.select %and3A_537, %sub3A_539, %div3A_518 : i32
      %jit3A_541 = arith.constant 1024 : i32
      %eq3A_542 = arith.constant 0 : i32
      %eq3A_543 = arith.cmpi eq, %jit3A_541, %eq3A_542 : i32
      %jit3A_544 = arith.constant 1 : i32
      %select_n3A_545 = arith.select %eq3A_543, %jit3A_544, %jit3A_541 : i32
      %rem3A_546 = arith.remsi %add3A_516, %select_n3A_545 : i32
      %ne3A_547 = arith.constant 0 : i32
      %ne3A_548 = arith.cmpi ne, %rem3A_546, %ne3A_547 : i32
      %lt3A_549 = arith.constant 0 : i32
      %lt3A_550 = arith.cmpi slt, %rem3A_546, %lt3A_549 : i32
      %lt3A_551 = arith.constant 0 : i32
      %lt3A_552 = arith.cmpi slt, %select_n3A_545, %lt3A_551 : i32
      %ne3A_553 = arith.xori %lt3A_550, %lt3A_552 : i1
      %and3A_554 = arith.andi %ne3A_553, %ne3A_548 : i1
      %add3A_555 = arith.addi %rem3A_546, %select_n3A_545 : i32
      %select_n3A_556 = arith.select %and3A_554, %add3A_555, %rem3A_546 : i32
      %dma_start3A_557 = arith.constant 0 : i32
      %dma_start3A_558 = tpu.memref_slice %arg5[%squeeze3A_514, %dma_start3A_557] : memref<100x1024xf32, #tpu.memory_space<vmem>> -> memref<1x1024xf32, #tpu.memory_space<vmem>>
      %dma_start3A_559 = tpu.memref_squeeze %dma_start3A_558 : memref<1x1024xf32, #tpu.memory_space<vmem>> -> memref<1024xf32, #tpu.memory_space<vmem>>
      %dma_start3A_560 = arith.constant 0 : i32
      %dma_start3A_561 = tpu.memref_slice %arg4[%select_n3A_540, %select_n3A_556, %dma_start3A_560] : memref<100x1024x1024xf32, #tpu.memory_space<hbm>> -> memref<1x1x1024xf32, #tpu.memory_space<hbm>>
      %dma_start3A_562 = tpu.memref_squeeze %dma_start3A_561 : memref<1x1x1024xf32, #tpu.memory_space<hbm>> -> memref<1024xf32, #tpu.memory_space<hbm>>
      %dma_start3A_563 = arith.constant 0 : i32
      %dma_start3A_564 = tpu.memref_slice %arg4[%select_n3A_540, %select_n3A_556, %dma_start3A_563] : memref<100x1024x1024xf32, #tpu.memory_space<hbm>> -> memref<1x1x1024xf32, #tpu.memory_space<hbm>>
      %dma_start3A_565 = tpu.memref_squeeze %dma_start3A_564 : memref<1x1x1024xf32, #tpu.memory_space<hbm>> -> memref<1024xf32, #tpu.memory_space<hbm>>
      %dma_start3A_566 = arith.constant 0 : i32
      %dma_start3A_567 = tpu.memref_slice %arg5[%squeeze3A_514, %dma_start3A_566] : memref<100x1024xf32, #tpu.memory_space<vmem>> -> memref<1x1024xf32, #tpu.memory_space<vmem>>
      %dma_start3A_568 = tpu.memref_squeeze %dma_start3A_567 : memref<1x1024xf32, #tpu.memory_space<vmem>> -> memref<1024xf32, #tpu.memory_space<vmem>>
      tpu.enqueue_dma source(%dma_start3A_568 : memref<1024xf32, #tpu.memory_space<vmem>>) target(%dma_start3A_565 : memref<1024xf32, #tpu.memory_space<hbm>>) target_semaphore(%arg7 : memref<!tpu.dma_semaphore, #tpu.memory_space<semaphore_mem>>)
      %slice3A_569 = vector.extract_strided_slice %get3A_21 {offsets = [10], sizes = [1], strides = [1]} : vector<16xi32> to vector<1xi32>
      %squeeze3A_570 = vector.extract %slice3A_569[0] : i32 from vector<1xi32>
      %add3A_571 = arith.constant 10 : i32
      %add3A_572 = arith.addi %add3A_17, %add3A_571 : i32
      %jit3A_573 = arith.constant 1024 : i32
      %div3A_574 = arith.divsi %add3A_572, %jit3A_573 : i32
      %sign3A_575 = arith.constant 0 : i32
      %sign3A_576 = arith.cmpi sgt, %add3A_572, %sign3A_575 : i32
      %sign3A_577 = arith.extui %sign3A_576 : i1 to i32
      %sign3A_578 = arith.constant 0 : i32
      %sign3A_579 = arith.cmpi slt, %add3A_572, %sign3A_578 : i32
      %sign3A_580 = arith.extui %sign3A_579 : i1 to i32
      %sign3A_581 = arith.subi %sign3A_577, %sign3A_580 : i32
      %sign3A_582 = arith.constant 0 : i32
      %sign3A_583 = arith.cmpi sgt, %jit3A_573, %sign3A_582 : i32
      %sign3A_584 = arith.extui %sign3A_583 : i1 to i32
      %sign3A_585 = arith.constant 0 : i32
      %sign3A_586 = arith.cmpi slt, %jit3A_573, %sign3A_585 : i32
      %sign3A_587 = arith.extui %sign3A_586 : i1 to i32
      %sign3A_588 = arith.subi %sign3A_584, %sign3A_587 : i32
      %ne3A_589 = arith.cmpi ne, %sign3A_581, %sign3A_588 : i32
      %rem3A_590 = arith.remsi %add3A_572, %jit3A_573 : i32
      %ne3A_591 = arith.constant 0 : i32
      %ne3A_592 = arith.cmpi ne, %rem3A_590, %ne3A_591 : i32
      %and3A_593 = arith.andi %ne3A_589, %ne3A_592 : i1
      %sub3A_594 = arith.constant 1 : i32
      %sub3A_595 = arith.subi %div3A_574, %sub3A_594 : i32
      %select_n3A_596 = arith.select %and3A_593, %sub3A_595, %div3A_574 : i32
      %jit3A_597 = arith.constant 1024 : i32
      %eq3A_598 = arith.constant 0 : i32
      %eq3A_599 = arith.cmpi eq, %jit3A_597, %eq3A_598 : i32
      %jit3A_600 = arith.constant 1 : i32
      %select_n3A_601 = arith.select %eq3A_599, %jit3A_600, %jit3A_597 : i32
      %rem3A_602 = arith.remsi %add3A_572, %select_n3A_601 : i32
      %ne3A_603 = arith.constant 0 : i32
      %ne3A_604 = arith.cmpi ne, %rem3A_602, %ne3A_603 : i32
      %lt3A_605 = arith.constant 0 : i32
      %lt3A_606 = arith.cmpi slt, %rem3A_602, %lt3A_605 : i32
      %lt3A_607 = arith.constant 0 : i32
      %lt3A_608 = arith.cmpi slt, %select_n3A_601, %lt3A_607 : i32
      %ne3A_609 = arith.xori %lt3A_606, %lt3A_608 : i1
      %and3A_610 = arith.andi %ne3A_609, %ne3A_604 : i1
      %add3A_611 = arith.addi %rem3A_602, %select_n3A_601 : i32
      %select_n3A_612 = arith.select %and3A_610, %add3A_611, %rem3A_602 : i32
      %dma_start3A_613 = arith.constant 0 : i32
      %dma_start3A_614 = tpu.memref_slice %arg5[%squeeze3A_570, %dma_start3A_613] : memref<100x1024xf32, #tpu.memory_space<vmem>> -> memref<1x1024xf32, #tpu.memory_space<vmem>>
      %dma_start3A_615 = tpu.memref_squeeze %dma_start3A_614 : memref<1x1024xf32, #tpu.memory_space<vmem>> -> memref<1024xf32, #tpu.memory_space<vmem>>
      %dma_start3A_616 = arith.constant 0 : i32
      %dma_start3A_617 = tpu.memref_slice %arg4[%select_n3A_596, %select_n3A_612, %dma_start3A_616] : memref<100x1024x1024xf32, #tpu.memory_space<hbm>> -> memref<1x1x1024xf32, #tpu.memory_space<hbm>>
      %dma_start3A_618 = tpu.memref_squeeze %dma_start3A_617 : memref<1x1x1024xf32, #tpu.memory_space<hbm>> -> memref<1024xf32, #tpu.memory_space<hbm>>
      %dma_start3A_619 = arith.constant 0 : i32
      %dma_start3A_620 = tpu.memref_slice %arg4[%select_n3A_596, %select_n3A_612, %dma_start3A_619] : memref<100x1024x1024xf32, #tpu.memory_space<hbm>> -> memref<1x1x1024xf32, #tpu.memory_space<hbm>>
      %dma_start3A_621 = tpu.memref_squeeze %dma_start3A_620 : memref<1x1x1024xf32, #tpu.memory_space<hbm>> -> memref<1024xf32, #tpu.memory_space<hbm>>
      %dma_start3A_622 = arith.constant 0 : i32
      %dma_start3A_623 = tpu.memref_slice %arg5[%squeeze3A_570, %dma_start3A_622] : memref<100x1024xf32, #tpu.memory_space<vmem>> -> memref<1x1024xf32, #tpu.memory_space<vmem>>
      %dma_start3A_624 = tpu.memref_squeeze %dma_start3A_623 : memref<1x1024xf32, #tpu.memory_space<vmem>> -> memref<1024xf32, #tpu.memory_space<vmem>>
      tpu.enqueue_dma source(%dma_start3A_624 : memref<1024xf32, #tpu.memory_space<vmem>>) target(%dma_start3A_621 : memref<1024xf32, #tpu.memory_space<hbm>>) target_semaphore(%arg7 : memref<!tpu.dma_semaphore, #tpu.memory_space<semaphore_mem>>)
      %slice3A_625 = vector.extract_strided_slice %get3A_21 {offsets = [11], sizes = [1], strides = [1]} : vector<16xi32> to vector<1xi32>
      %squeeze3A_626 = vector.extract %slice3A_625[0] : i32 from vector<1xi32>
      %add3A_627 = arith.constant 11 : i32
      %add3A_628 = arith.addi %add3A_17, %add3A_627 : i32
      %jit3A_629 = arith.constant 1024 : i32
      %div3A_630 = arith.divsi %add3A_628, %jit3A_629 : i32
      %sign3A_631 = arith.constant 0 : i32
      %sign3A_632 = arith.cmpi sgt, %add3A_628, %sign3A_631 : i32
      %sign3A_633 = arith.extui %sign3A_632 : i1 to i32
      %sign3A_634 = arith.constant 0 : i32
      %sign3A_635 = arith.cmpi slt, %add3A_628, %sign3A_634 : i32
      %sign3A_636 = arith.extui %sign3A_635 : i1 to i32
      %sign3A_637 = arith.subi %sign3A_633, %sign3A_636 : i32
      %sign3A_638 = arith.constant 0 : i32
      %sign3A_639 = arith.cmpi sgt, %jit3A_629, %sign3A_638 : i32
      %sign3A_640 = arith.extui %sign3A_639 : i1 to i32
      %sign3A_641 = arith.constant 0 : i32
      %sign3A_642 = arith.cmpi slt, %jit3A_629, %sign3A_641 : i32
      %sign3A_643 = arith.extui %sign3A_642 : i1 to i32
      %sign3A_644 = arith.subi %sign3A_640, %sign3A_643 : i32
      %ne3A_645 = arith.cmpi ne, %sign3A_637, %sign3A_644 : i32
      %rem3A_646 = arith.remsi %add3A_628, %jit3A_629 : i32
      %ne3A_647 = arith.constant 0 : i32
      %ne3A_648 = arith.cmpi ne, %rem3A_646, %ne3A_647 : i32
      %and3A_649 = arith.andi %ne3A_645, %ne3A_648 : i1
      %sub3A_650 = arith.constant 1 : i32
      %sub3A_651 = arith.subi %div3A_630, %sub3A_650 : i32
      %select_n3A_652 = arith.select %and3A_649, %sub3A_651, %div3A_630 : i32
      %jit3A_653 = arith.constant 1024 : i32
      %eq3A_654 = arith.constant 0 : i32
      %eq3A_655 = arith.cmpi eq, %jit3A_653, %eq3A_654 : i32
      %jit3A_656 = arith.constant 1 : i32
      %select_n3A_657 = arith.select %eq3A_655, %jit3A_656, %jit3A_653 : i32
      %rem3A_658 = arith.remsi %add3A_628, %select_n3A_657 : i32
      %ne3A_659 = arith.constant 0 : i32
      %ne3A_660 = arith.cmpi ne, %rem3A_658, %ne3A_659 : i32
      %lt3A_661 = arith.constant 0 : i32
      %lt3A_662 = arith.cmpi slt, %rem3A_658, %lt3A_661 : i32
      %lt3A_663 = arith.constant 0 : i32
      %lt3A_664 = arith.cmpi slt, %select_n3A_657, %lt3A_663 : i32
      %ne3A_665 = arith.xori %lt3A_662, %lt3A_664 : i1
      %and3A_666 = arith.andi %ne3A_665, %ne3A_660 : i1
      %add3A_667 = arith.addi %rem3A_658, %select_n3A_657 : i32
      %select_n3A_668 = arith.select %and3A_666, %add3A_667, %rem3A_658 : i32
      %dma_start3A_669 = arith.constant 0 : i32
      %dma_start3A_670 = tpu.memref_slice %arg5[%squeeze3A_626, %dma_start3A_669] : memref<100x1024xf32, #tpu.memory_space<vmem>> -> memref<1x1024xf32, #tpu.memory_space<vmem>>
      %dma_start3A_671 = tpu.memref_squeeze %dma_start3A_670 : memref<1x1024xf32, #tpu.memory_space<vmem>> -> memref<1024xf32, #tpu.memory_space<vmem>>
      %dma_start3A_672 = arith.constant 0 : i32
      %dma_start3A_673 = tpu.memref_slice %arg4[%select_n3A_652, %select_n3A_668, %dma_start3A_672] : memref<100x1024x1024xf32, #tpu.memory_space<hbm>> -> memref<1x1x1024xf32, #tpu.memory_space<hbm>>
      %dma_start3A_674 = tpu.memref_squeeze %dma_start3A_673 : memref<1x1x1024xf32, #tpu.memory_space<hbm>> -> memref<1024xf32, #tpu.memory_space<hbm>>
      %dma_start3A_675 = arith.constant 0 : i32
      %dma_start3A_676 = tpu.memref_slice %arg4[%select_n3A_652, %select_n3A_668, %dma_start3A_675] : memref<100x1024x1024xf32, #tpu.memory_space<hbm>> -> memref<1x1x1024xf32, #tpu.memory_space<hbm>>
      %dma_start3A_677 = tpu.memref_squeeze %dma_start3A_676 : memref<1x1x1024xf32, #tpu.memory_space<hbm>> -> memref<1024xf32, #tpu.memory_space<hbm>>
      %dma_start3A_678 = arith.constant 0 : i32
      %dma_start3A_679 = tpu.memref_slice %arg5[%squeeze3A_626, %dma_start3A_678] : memref<100x1024xf32, #tpu.memory_space<vmem>> -> memref<1x1024xf32, #tpu.memory_space<vmem>>
      %dma_start3A_680 = tpu.memref_squeeze %dma_start3A_679 : memref<1x1024xf32, #tpu.memory_space<vmem>> -> memref<1024xf32, #tpu.memory_space<vmem>>
      tpu.enqueue_dma source(%dma_start3A_680 : memref<1024xf32, #tpu.memory_space<vmem>>) target(%dma_start3A_677 : memref<1024xf32, #tpu.memory_space<hbm>>) target_semaphore(%arg7 : memref<!tpu.dma_semaphore, #tpu.memory_space<semaphore_mem>>)
      %slice3A_681 = vector.extract_strided_slice %get3A_21 {offsets = [12], sizes = [1], strides = [1]} : vector<16xi32> to vector<1xi32>
      %squeeze3A_682 = vector.extract %slice3A_681[0] : i32 from vector<1xi32>
      %add3A_683 = arith.constant 12 : i32
      %add3A_684 = arith.addi %add3A_17, %add3A_683 : i32
      %jit3A_685 = arith.constant 1024 : i32
      %div3A_686 = arith.divsi %add3A_684, %jit3A_685 : i32
      %sign3A_687 = arith.constant 0 : i32
      %sign3A_688 = arith.cmpi sgt, %add3A_684, %sign3A_687 : i32
      %sign3A_689 = arith.extui %sign3A_688 : i1 to i32
      %sign3A_690 = arith.constant 0 : i32
      %sign3A_691 = arith.cmpi slt, %add3A_684, %sign3A_690 : i32
      %sign3A_692 = arith.extui %sign3A_691 : i1 to i32
      %sign3A_693 = arith.subi %sign3A_689, %sign3A_692 : i32
      %sign3A_694 = arith.constant 0 : i32
      %sign3A_695 = arith.cmpi sgt, %jit3A_685, %sign3A_694 : i32
      %sign3A_696 = arith.extui %sign3A_695 : i1 to i32
      %sign3A_697 = arith.constant 0 : i32
      %sign3A_698 = arith.cmpi slt, %jit3A_685, %sign3A_697 : i32
      %sign3A_699 = arith.extui %sign3A_698 : i1 to i32
      %sign3A_700 = arith.subi %sign3A_696, %sign3A_699 : i32
      %ne3A_701 = arith.cmpi ne, %sign3A_693, %sign3A_700 : i32
      %rem3A_702 = arith.remsi %add3A_684, %jit3A_685 : i32
      %ne3A_703 = arith.constant 0 : i32
      %ne3A_704 = arith.cmpi ne, %rem3A_702, %ne3A_703 : i32
      %and3A_705 = arith.andi %ne3A_701, %ne3A_704 : i1
      %sub3A_706 = arith.constant 1 : i32
      %sub3A_707 = arith.subi %div3A_686, %sub3A_706 : i32
      %select_n3A_708 = arith.select %and3A_705, %sub3A_707, %div3A_686 : i32
      %jit3A_709 = arith.constant 1024 : i32
      %eq3A_710 = arith.constant 0 : i32
      %eq3A_711 = arith.cmpi eq, %jit3A_709, %eq3A_710 : i32
      %jit3A_712 = arith.constant 1 : i32
      %select_n3A_713 = arith.select %eq3A_711, %jit3A_712, %jit3A_709 : i32
      %rem3A_714 = arith.remsi %add3A_684, %select_n3A_713 : i32
      %ne3A_715 = arith.constant 0 : i32
      %ne3A_716 = arith.cmpi ne, %rem3A_714, %ne3A_715 : i32
      %lt3A_717 = arith.constant 0 : i32
      %lt3A_718 = arith.cmpi slt, %rem3A_714, %lt3A_717 : i32
      %lt3A_719 = arith.constant 0 : i32
      %lt3A_720 = arith.cmpi slt, %select_n3A_713, %lt3A_719 : i32
      %ne3A_721 = arith.xori %lt3A_718, %lt3A_720 : i1
      %and3A_722 = arith.andi %ne3A_721, %ne3A_716 : i1
      %add3A_723 = arith.addi %rem3A_714, %select_n3A_713 : i32
      %select_n3A_724 = arith.select %and3A_722, %add3A_723, %rem3A_714 : i32
      %dma_start3A_725 = arith.constant 0 : i32
      %dma_start3A_726 = tpu.memref_slice %arg5[%squeeze3A_682, %dma_start3A_725] : memref<100x1024xf32, #tpu.memory_space<vmem>> -> memref<1x1024xf32, #tpu.memory_space<vmem>>
      %dma_start3A_727 = tpu.memref_squeeze %dma_start3A_726 : memref<1x1024xf32, #tpu.memory_space<vmem>> -> memref<1024xf32, #tpu.memory_space<vmem>>
      %dma_start3A_728 = arith.constant 0 : i32
      %dma_start3A_729 = tpu.memref_slice %arg4[%select_n3A_708, %select_n3A_724, %dma_start3A_728] : memref<100x1024x1024xf32, #tpu.memory_space<hbm>> -> memref<1x1x1024xf32, #tpu.memory_space<hbm>>
      %dma_start3A_730 = tpu.memref_squeeze %dma_start3A_729 : memref<1x1x1024xf32, #tpu.memory_space<hbm>> -> memref<1024xf32, #tpu.memory_space<hbm>>
      %dma_start3A_731 = arith.constant 0 : i32
      %dma_start3A_732 = tpu.memref_slice %arg4[%select_n3A_708, %select_n3A_724, %dma_start3A_731] : memref<100x1024x1024xf32, #tpu.memory_space<hbm>> -> memref<1x1x1024xf32, #tpu.memory_space<hbm>>
      %dma_start3A_733 = tpu.memref_squeeze %dma_start3A_732 : memref<1x1x1024xf32, #tpu.memory_space<hbm>> -> memref<1024xf32, #tpu.memory_space<hbm>>
      %dma_start3A_734 = arith.constant 0 : i32
      %dma_start3A_735 = tpu.memref_slice %arg5[%squeeze3A_682, %dma_start3A_734] : memref<100x1024xf32, #tpu.memory_space<vmem>> -> memref<1x1024xf32, #tpu.memory_space<vmem>>
      %dma_start3A_736 = tpu.memref_squeeze %dma_start3A_735 : memref<1x1024xf32, #tpu.memory_space<vmem>> -> memref<1024xf32, #tpu.memory_space<vmem>>
      tpu.enqueue_dma source(%dma_start3A_736 : memref<1024xf32, #tpu.memory_space<vmem>>) target(%dma_start3A_733 : memref<1024xf32, #tpu.memory_space<hbm>>) target_semaphore(%arg7 : memref<!tpu.dma_semaphore, #tpu.memory_space<semaphore_mem>>)
      %slice3A_737 = vector.extract_strided_slice %get3A_21 {offsets = [13], sizes = [1], strides = [1]} : vector<16xi32> to vector<1xi32>
      %squeeze3A_738 = vector.extract %slice3A_737[0] : i32 from vector<1xi32>
      %add3A_739 = arith.constant 13 : i32
      %add3A_740 = arith.addi %add3A_17, %add3A_739 : i32
      %jit3A_741 = arith.constant 1024 : i32
      %div3A_742 = arith.divsi %add3A_740, %jit3A_741 : i32
      %sign3A_743 = arith.constant 0 : i32
      %sign3A_744 = arith.cmpi sgt, %add3A_740, %sign3A_743 : i32
      %sign3A_745 = arith.extui %sign3A_744 : i1 to i32
      %sign3A_746 = arith.constant 0 : i32
      %sign3A_747 = arith.cmpi slt, %add3A_740, %sign3A_746 : i32
      %sign3A_748 = arith.extui %sign3A_747 : i1 to i32
      %sign3A_749 = arith.subi %sign3A_745, %sign3A_748 : i32
      %sign3A_750 = arith.constant 0 : i32
      %sign3A_751 = arith.cmpi sgt, %jit3A_741, %sign3A_750 : i32
      %sign3A_752 = arith.extui %sign3A_751 : i1 to i32
      %sign3A_753 = arith.constant 0 : i32
      %sign3A_754 = arith.cmpi slt, %jit3A_741, %sign3A_753 : i32
      %sign3A_755 = arith.extui %sign3A_754 : i1 to i32
      %sign3A_756 = arith.subi %sign3A_752, %sign3A_755 : i32
      %ne3A_757 = arith.cmpi ne, %sign3A_749, %sign3A_756 : i32
      %rem3A_758 = arith.remsi %add3A_740, %jit3A_741 : i32
      %ne3A_759 = arith.constant 0 : i32
      %ne3A_760 = arith.cmpi ne, %rem3A_758, %ne3A_759 : i32
      %and3A_761 = arith.andi %ne3A_757, %ne3A_760 : i1
      %sub3A_762 = arith.constant 1 : i32
      %sub3A_763 = arith.subi %div3A_742, %sub3A_762 : i32
      %select_n3A_764 = arith.select %and3A_761, %sub3A_763, %div3A_742 : i32
      %jit3A_765 = arith.constant 1024 : i32
      %eq3A_766 = arith.constant 0 : i32
      %eq3A_767 = arith.cmpi eq, %jit3A_765, %eq3A_766 : i32
      %jit3A_768 = arith.constant 1 : i32
      %select_n3A_769 = arith.select %eq3A_767, %jit3A_768, %jit3A_765 : i32
      %rem3A_770 = arith.remsi %add3A_740, %select_n3A_769 : i32
      %ne3A_771 = arith.constant 0 : i32
      %ne3A_772 = arith.cmpi ne, %rem3A_770, %ne3A_771 : i32
      %lt3A_773 = arith.constant 0 : i32
      %lt3A_774 = arith.cmpi slt, %rem3A_770, %lt3A_773 : i32
      %lt3A_775 = arith.constant 0 : i32
      %lt3A_776 = arith.cmpi slt, %select_n3A_769, %lt3A_775 : i32
      %ne3A_777 = arith.xori %lt3A_774, %lt3A_776 : i1
      %and3A_778 = arith.andi %ne3A_777, %ne3A_772 : i1
      %add3A_779 = arith.addi %rem3A_770, %select_n3A_769 : i32
      %select_n3A_780 = arith.select %and3A_778, %add3A_779, %rem3A_770 : i32
      %dma_start3A_781 = arith.constant 0 : i32
      %dma_start3A_782 = tpu.memref_slice %arg5[%squeeze3A_738, %dma_start3A_781] : memref<100x1024xf32, #tpu.memory_space<vmem>> -> memref<1x1024xf32, #tpu.memory_space<vmem>>
      %dma_start3A_783 = tpu.memref_squeeze %dma_start3A_782 : memref<1x1024xf32, #tpu.memory_space<vmem>> -> memref<1024xf32, #tpu.memory_space<vmem>>
      %dma_start3A_784 = arith.constant 0 : i32
      %dma_start3A_785 = tpu.memref_slice %arg4[%select_n3A_764, %select_n3A_780, %dma_start3A_784] : memref<100x1024x1024xf32, #tpu.memory_space<hbm>> -> memref<1x1x1024xf32, #tpu.memory_space<hbm>>
      %dma_start3A_786 = tpu.memref_squeeze %dma_start3A_785 : memref<1x1x1024xf32, #tpu.memory_space<hbm>> -> memref<1024xf32, #tpu.memory_space<hbm>>
      %dma_start3A_787 = arith.constant 0 : i32
      %dma_start3A_788 = tpu.memref_slice %arg4[%select_n3A_764, %select_n3A_780, %dma_start3A_787] : memref<100x1024x1024xf32, #tpu.memory_space<hbm>> -> memref<1x1x1024xf32, #tpu.memory_space<hbm>>
      %dma_start3A_789 = tpu.memref_squeeze %dma_start3A_788 : memref<1x1x1024xf32, #tpu.memory_space<hbm>> -> memref<1024xf32, #tpu.memory_space<hbm>>
      %dma_start3A_790 = arith.constant 0 : i32
      %dma_start3A_791 = tpu.memref_slice %arg5[%squeeze3A_738, %dma_start3A_790] : memref<100x1024xf32, #tpu.memory_space<vmem>> -> memref<1x1024xf32, #tpu.memory_space<vmem>>
      %dma_start3A_792 = tpu.memref_squeeze %dma_start3A_791 : memref<1x1024xf32, #tpu.memory_space<vmem>> -> memref<1024xf32, #tpu.memory_space<vmem>>
      tpu.enqueue_dma source(%dma_start3A_792 : memref<1024xf32, #tpu.memory_space<vmem>>) target(%dma_start3A_789 : memref<1024xf32, #tpu.memory_space<hbm>>) target_semaphore(%arg7 : memref<!tpu.dma_semaphore, #tpu.memory_space<semaphore_mem>>)
      %slice3A_793 = vector.extract_strided_slice %get3A_21 {offsets = [14], sizes = [1], strides = [1]} : vector<16xi32> to vector<1xi32>
      %squeeze3A_794 = vector.extract %slice3A_793[0] : i32 from vector<1xi32>
      %add3A_795 = arith.constant 14 : i32
      %add3A_796 = arith.addi %add3A_17, %add3A_795 : i32
      %jit3A_797 = arith.constant 1024 : i32
      %div3A_798 = arith.divsi %add3A_796, %jit3A_797 : i32
      %sign3A_799 = arith.constant 0 : i32
      %sign3A_800 = arith.cmpi sgt, %add3A_796, %sign3A_799 : i32
      %sign3A_801 = arith.extui %sign3A_800 : i1 to i32
      %sign3A_802 = arith.constant 0 : i32
      %sign3A_803 = arith.cmpi slt, %add3A_796, %sign3A_802 : i32
      %sign3A_804 = arith.extui %sign3A_803 : i1 to i32
      %sign3A_805 = arith.subi %sign3A_801, %sign3A_804 : i32
      %sign3A_806 = arith.constant 0 : i32
      %sign3A_807 = arith.cmpi sgt, %jit3A_797, %sign3A_806 : i32
      %sign3A_808 = arith.extui %sign3A_807 : i1 to i32
      %sign3A_809 = arith.constant 0 : i32
      %sign3A_810 = arith.cmpi slt, %jit3A_797, %sign3A_809 : i32
      %sign3A_811 = arith.extui %sign3A_810 : i1 to i32
      %sign3A_812 = arith.subi %sign3A_808, %sign3A_811 : i32
      %ne3A_813 = arith.cmpi ne, %sign3A_805, %sign3A_812 : i32
      %rem3A_814 = arith.remsi %add3A_796, %jit3A_797 : i32
      %ne3A_815 = arith.constant 0 : i32
      %ne3A_816 = arith.cmpi ne, %rem3A_814, %ne3A_815 : i32
      %and3A_817 = arith.andi %ne3A_813, %ne3A_816 : i1
      %sub3A_818 = arith.constant 1 : i32
      %sub3A_819 = arith.subi %div3A_798, %sub3A_818 : i32
      %select_n3A_820 = arith.select %and3A_817, %sub3A_819, %div3A_798 : i32
      %jit3A_821 = arith.constant 1024 : i32
      %eq3A_822 = arith.constant 0 : i32
      %eq3A_823 = arith.cmpi eq, %jit3A_821, %eq3A_822 : i32
      %jit3A_824 = arith.constant 1 : i32
      %select_n3A_825 = arith.select %eq3A_823, %jit3A_824, %jit3A_821 : i32
      %rem3A_826 = arith.remsi %add3A_796, %select_n3A_825 : i32
      %ne3A_827 = arith.constant 0 : i32
      %ne3A_828 = arith.cmpi ne, %rem3A_826, %ne3A_827 : i32
      %lt3A_829 = arith.constant 0 : i32
      %lt3A_830 = arith.cmpi slt, %rem3A_826, %lt3A_829 : i32
      %lt3A_831 = arith.constant 0 : i32
      %lt3A_832 = arith.cmpi slt, %select_n3A_825, %lt3A_831 : i32
      %ne3A_833 = arith.xori %lt3A_830, %lt3A_832 : i1
      %and3A_834 = arith.andi %ne3A_833, %ne3A_828 : i1
      %add3A_835 = arith.addi %rem3A_826, %select_n3A_825 : i32
      %select_n3A_836 = arith.select %and3A_834, %add3A_835, %rem3A_826 : i32
      %dma_start3A_837 = arith.constant 0 : i32
      %dma_start3A_838 = tpu.memref_slice %arg5[%squeeze3A_794, %dma_start3A_837] : memref<100x1024xf32, #tpu.memory_space<vmem>> -> memref<1x1024xf32, #tpu.memory_space<vmem>>
      %dma_start3A_839 = tpu.memref_squeeze %dma_start3A_838 : memref<1x1024xf32, #tpu.memory_space<vmem>> -> memref<1024xf32, #tpu.memory_space<vmem>>
      %dma_start3A_840 = arith.constant 0 : i32
      %dma_start3A_841 = tpu.memref_slice %arg4[%select_n3A_820, %select_n3A_836, %dma_start3A_840] : memref<100x1024x1024xf32, #tpu.memory_space<hbm>> -> memref<1x1x1024xf32, #tpu.memory_space<hbm>>
      %dma_start3A_842 = tpu.memref_squeeze %dma_start3A_841 : memref<1x1x1024xf32, #tpu.memory_space<hbm>> -> memref<1024xf32, #tpu.memory_space<hbm>>
      %dma_start3A_843 = arith.constant 0 : i32
      %dma_start3A_844 = tpu.memref_slice %arg4[%select_n3A_820, %select_n3A_836, %dma_start3A_843] : memref<100x1024x1024xf32, #tpu.memory_space<hbm>> -> memref<1x1x1024xf32, #tpu.memory_space<hbm>>
      %dma_start3A_845 = tpu.memref_squeeze %dma_start3A_844 : memref<1x1x1024xf32, #tpu.memory_space<hbm>> -> memref<1024xf32, #tpu.memory_space<hbm>>
      %dma_start3A_846 = arith.constant 0 : i32
      %dma_start3A_847 = tpu.memref_slice %arg5[%squeeze3A_794, %dma_start3A_846] : memref<100x1024xf32, #tpu.memory_space<vmem>> -> memref<1x1024xf32, #tpu.memory_space<vmem>>
      %dma_start3A_848 = tpu.memref_squeeze %dma_start3A_847 : memref<1x1024xf32, #tpu.memory_space<vmem>> -> memref<1024xf32, #tpu.memory_space<vmem>>
      tpu.enqueue_dma source(%dma_start3A_848 : memref<1024xf32, #tpu.memory_space<vmem>>) target(%dma_start3A_845 : memref<1024xf32, #tpu.memory_space<hbm>>) target_semaphore(%arg7 : memref<!tpu.dma_semaphore, #tpu.memory_space<semaphore_mem>>)
      %slice3A_849 = vector.extract_strided_slice %get3A_21 {offsets = [15], sizes = [1], strides = [1]} : vector<16xi32> to vector<1xi32>
      %squeeze3A_850 = vector.extract %slice3A_849[0] : i32 from vector<1xi32>
      %add3A_851 = arith.constant 15 : i32
      %add3A_852 = arith.addi %add3A_17, %add3A_851 : i32
      %jit3A_853 = arith.constant 1024 : i32
      %div3A_854 = arith.divsi %add3A_852, %jit3A_853 : i32
      %sign3A_855 = arith.constant 0 : i32
      %sign3A_856 = arith.cmpi sgt, %add3A_852, %sign3A_855 : i32
      %sign3A_857 = arith.extui %sign3A_856 : i1 to i32
      %sign3A_858 = arith.constant 0 : i32
      %sign3A_859 = arith.cmpi slt, %add3A_852, %sign3A_858 : i32
      %sign3A_860 = arith.extui %sign3A_859 : i1 to i32
      %sign3A_861 = arith.subi %sign3A_857, %sign3A_860 : i32
      %sign3A_862 = arith.constant 0 : i32
      %sign3A_863 = arith.cmpi sgt, %jit3A_853, %sign3A_862 : i32
      %sign3A_864 = arith.extui %sign3A_863 : i1 to i32
      %sign3A_865 = arith.constant 0 : i32
      %sign3A_866 = arith.cmpi slt, %jit3A_853, %sign3A_865 : i32
      %sign3A_867 = arith.extui %sign3A_866 : i1 to i32
      %sign3A_868 = arith.subi %sign3A_864, %sign3A_867 : i32
      %ne3A_869 = arith.cmpi ne, %sign3A_861, %sign3A_868 : i32
      %rem3A_870 = arith.remsi %add3A_852, %jit3A_853 : i32
      %ne3A_871 = arith.constant 0 : i32
      %ne3A_872 = arith.cmpi ne, %rem3A_870, %ne3A_871 : i32
      %and3A_873 = arith.andi %ne3A_869, %ne3A_872 : i1
      %sub3A_874 = arith.constant 1 : i32
      %sub3A_875 = arith.subi %div3A_854, %sub3A_874 : i32
      %select_n3A_876 = arith.select %and3A_873, %sub3A_875, %div3A_854 : i32
      %jit3A_877 = arith.constant 1024 : i32
      %eq3A_878 = arith.constant 0 : i32
      %eq3A_879 = arith.cmpi eq, %jit3A_877, %eq3A_878 : i32
      %jit3A_880 = arith.constant 1 : i32
      %select_n3A_881 = arith.select %eq3A_879, %jit3A_880, %jit3A_877 : i32
      %rem3A_882 = arith.remsi %add3A_852, %select_n3A_881 : i32
      %ne3A_883 = arith.constant 0 : i32
      %ne3A_884 = arith.cmpi ne, %rem3A_882, %ne3A_883 : i32
      %lt3A_885 = arith.constant 0 : i32
      %lt3A_886 = arith.cmpi slt, %rem3A_882, %lt3A_885 : i32
      %lt3A_887 = arith.constant 0 : i32
      %lt3A_888 = arith.cmpi slt, %select_n3A_881, %lt3A_887 : i32
      %ne3A_889 = arith.xori %lt3A_886, %lt3A_888 : i1
      %and3A_890 = arith.andi %ne3A_889, %ne3A_884 : i1
      %add3A_891 = arith.addi %rem3A_882, %select_n3A_881 : i32
      %select_n3A_892 = arith.select %and3A_890, %add3A_891, %rem3A_882 : i32
      %dma_start3A_893 = arith.constant 0 : i32
      %dma_start3A_894 = tpu.memref_slice %arg5[%squeeze3A_850, %dma_start3A_893] : memref<100x1024xf32, #tpu.memory_space<vmem>> -> memref<1x1024xf32, #tpu.memory_space<vmem>>
      %dma_start3A_895 = tpu.memref_squeeze %dma_start3A_894 : memref<1x1024xf32, #tpu.memory_space<vmem>> -> memref<1024xf32, #tpu.memory_space<vmem>>
      %dma_start3A_896 = arith.constant 0 : i32
      %dma_start3A_897 = tpu.memref_slice %arg4[%select_n3A_876, %select_n3A_892, %dma_start3A_896] : memref<100x1024x1024xf32, #tpu.memory_space<hbm>> -> memref<1x1x1024xf32, #tpu.memory_space<hbm>>
      %dma_start3A_898 = tpu.memref_squeeze %dma_start3A_897 : memref<1x1x1024xf32, #tpu.memory_space<hbm>> -> memref<1024xf32, #tpu.memory_space<hbm>>
      %dma_start3A_899 = arith.constant 0 : i32
      %dma_start3A_900 = tpu.memref_slice %arg4[%select_n3A_876, %select_n3A_892, %dma_start3A_899] : memref<100x1024x1024xf32, #tpu.memory_space<hbm>> -> memref<1x1x1024xf32, #tpu.memory_space<hbm>>
      %dma_start3A_901 = tpu.memref_squeeze %dma_start3A_900 : memref<1x1x1024xf32, #tpu.memory_space<hbm>> -> memref<1024xf32, #tpu.memory_space<hbm>>
      %dma_start3A_902 = arith.constant 0 : i32
      %dma_start3A_903 = tpu.memref_slice %arg5[%squeeze3A_850, %dma_start3A_902] : memref<100x1024xf32, #tpu.memory_space<vmem>> -> memref<1x1024xf32, #tpu.memory_space<vmem>>
      %dma_start3A_904 = tpu.memref_squeeze %dma_start3A_903 : memref<1x1024xf32, #tpu.memory_space<vmem>> -> memref<1024xf32, #tpu.memory_space<vmem>>
      tpu.enqueue_dma source(%dma_start3A_904 : memref<1024xf32, #tpu.memory_space<vmem>>) target(%dma_start3A_901 : memref<1024xf32, #tpu.memory_space<hbm>>) target_semaphore(%arg7 : memref<!tpu.dma_semaphore, #tpu.memory_space<semaphore_mem>>)
    }
    %scan3A_7 = arith.constant 200 : i32
    %scan3A_8 = arith.constant 0 : i32
    %scan3A_9 = arith.constant 0 : i32
    %scan3A_10 = arith.constant 50 : i32
    %scan3A_11 = arith.addi %scan3A_9, %scan3A_10 : i32
    %scan3A_12 = arith.constant 1 : i32
    scf.for %scan3A_14 = %scan3A_9 to %scan3A_11 step %scan3A_12  : i32 {
      %dma_wait3A = arith.constant 0 : i32
      %dma_wait3A_15 = arith.constant 0 : i32
      %dma_wait3A_16 = arith.constant 0 : i32
      %dma_wait3A_17 = tpu.memref_slice %arg5[%dma_wait3A_15, %dma_wait3A_16] : memref<100x1024xf32, #tpu.memory_space<vmem>> -> memref<64x1024xf32, #tpu.memory_space<vmem>>
      %dma_wait3A_18 = arith.constant 0 : i32
      %dma_wait3A_19 = arith.constant 0 : i32
      %dma_wait3A_20 = tpu.memref_slice %arg4[%dma_wait3A, %dma_wait3A_18, %dma_wait3A_19] : memref<100x1024x1024xf32, #tpu.memory_space<hbm>> -> memref<1x64x1024xf32, #tpu.memory_space<hbm>>
      %dma_wait3A_21 = tpu.memref_squeeze %dma_wait3A_20 : memref<1x64x1024xf32, #tpu.memory_space<hbm>> -> memref<64x1024xf32, #tpu.memory_space<hbm>>
      %dma_wait3A_22 = arith.constant 0 : i32
      %dma_wait3A_23 = arith.constant 0 : i32
      %dma_wait3A_24 = tpu.memref_slice %arg4[%dma_wait3A, %dma_wait3A_22, %dma_wait3A_23] : memref<100x1024x1024xf32, #tpu.memory_space<hbm>> -> memref<1x64x1024xf32, #tpu.memory_space<hbm>>
      %dma_wait3A_25 = tpu.memref_squeeze %dma_wait3A_24 : memref<1x64x1024xf32, #tpu.memory_space<hbm>> -> memref<64x1024xf32, #tpu.memory_space<hbm>>
      %dma_wait3A_26 = arith.constant 0 : i32
      %dma_wait3A_27 = arith.constant 0 : i32
      %dma_wait3A_28 = tpu.memref_slice %arg5[%dma_wait3A_26, %dma_wait3A_27] : memref<100x1024xf32, #tpu.memory_space<vmem>> -> memref<64x1024xf32, #tpu.memory_space<vmem>>
      tpu.wait_dma2 semaphore(%arg7 : memref<!tpu.dma_semaphore, #tpu.memory_space<semaphore_mem>>) src(%dma_wait3A_28 : memref<64x1024xf32, #tpu.memory_space<vmem>>) dst(%dma_wait3A_25 : memref<64x1024xf32, #tpu.memory_space<hbm>>)
    }
    %scan3A_13 = arith.constant 50 : i32
    return
  }
}

</mosaic_0001>

<sc_bundles>
// kernel: kernel.3.cloned.1.call-start
scs
__scs_entry_jumppad:
0x0: {  	(pc) =	sbr.rel $0x88, $3  }
0x1: {  	(tag) =	ssettag $0x0;
	lr =	simm.s32 $0x1  }
0x2: {  	[smem:$0x3F9F] =	sst lr;
	_ =	strace $0xD0000000  }
0x3: {  	_ = 	snop  }
0x4: {  	_ = 	snop  }
0x5: {  	_ = 	snop  }
0x6: {  	_ = 	snop  }
0x7: {  	_ = 	snop  }
__scs_overlays_trampoline_lowered:
0x8: {  	[smem:$0x3FAE] =	sst s0  }
0x9: {  	[smem:$0x3FAF] =	sst s1  }
0xa: {  	[smem:$0x3FB0] =	sst s2  }
0xb: {  	[smem:$0x3FB1] =	sst s3  }
0xc: {  	[smem:$0x3FB2] =	sst s4  }
0xd: {  	[smem:$0x3FB3] =	sst s5  }
0xe: {  	[smem:$0x3FB4] =	sst s6  }
0xf: {  	[smem:$0x3FB5] =	sst s7  }
0x10: {  	[smem:$0x3FB6] =	sst s8  }
0x11: {  	[smem:$0x3FB7] =	sst s9;
	s0 =	simm.s32 @!p0 $0x0  }
0x12: {  	s1 =	sld [smem:$0x3F9D];
	s0 =	simm.s32 @p0 $0x1  }
0x13: {  	[smem:$0x3FB8] =	sst s0;
	s0 =	simm.s32 @!p1 $0x0  }
0x14: {  	s2 =	sld [smem:$0x3F9C];
	s0 =	simm.s32 @p1 $0x1  }
0x15: {  	[smem:$0x3FB9] =	sst s0;
	s0 =	simm.s32 @!p2 $0x0  }
0x16: {  	s3 =	sld [smem:$0x3FDB];
	s0 =	simm.s32 @p2 $0x1  }
0x17: {  	s4 =	simm.s32 $0x1BF5;
	[smem:$0x3FBB] =	sst s0  }
0x18: {  	s0 =	sld [smem:$0x3F9E];
	_ =	swait.ge [sflag:s4], $0x0  }
0x19: {  	s7 =	sld [smem:$0x3F9F]  }
0x1a: {  	s8 =	sadd.s32 $0xFFFFE003, lr  }
0x1b: {  	s9 =	sadd.s32 $0xFFFFFEF7, lr;
	s5 =	simm.s32 $0xFFFFFFFF;
	p2 =	slt.u32 s8, $0xFFFFF086  }
0x1c: {  	p1 =	slt.u32 s9, $0xF7A;
	s5 =	simm.s32 @!p2 $0x0  }
0x1d: {  	s5 =	simm.s32 @p1 $0x1;
	p0 =	seq.s32 s7, s2  }
0x1e: {  	s7 =	smul.u32 @!p0 $0xF7A, s2;
	p2 =	seq.s32 @!p0 s5, $0x0  }
0x1f: {  	s9 =	smul.u32 $0xF7A, s1;
	s8 =	simm.s32 @!p0 $0x1BF5;
	p2 =	por !p2, p0  }
0x20: {  	[sflag:s8] =	ssyncset.s32 @!p0 $0xFFFFF086;
	s6 =	sadd.s32 @!p0 s3, s7;
	s7 =	simm.s32 @!p0 $0x108  }
0x21: {  	s3 =	sadd.s32 s3, s9;
	s6 =	sadd.s32 @!p0 $0x88, s6;
	s7 =	simm.s32 @p2 $0x1082  }
0x22: {  	[simem:s7], [sflag:s8] =	dma.local @!p0 [hbm:s6], $0xF7A  }
0x23: {  	s9 =	sor.u32 $0xD0000000, s2;
	s6 =	simm.s32 $0x108;
	_ =	swait.ge @!p0 [sflag:s8], $0x0  }
0x24: {  	s3 =	sadd.s32 $0x88, s3;
	s6 =	simm.s32 @!p1 $0x1082;
	[sflag:s4] =	ssyncset.s32 $0xFFFFF086  }
0x25: {  	[simem:s6], [sflag:s4] =	dma.local [hbm:s3], $0xF7A  }
0x26: {  	[smem:$0x3F9F] =	sst s1;
	(tag) =	ssettag s2;
	_ =	strace s9  }
0x27: {  	s1 =	sld [smem:$0x3FAF]  }
0x28: {  	s2 =	sld [smem:$0x3FB0]  }
0x29: {  	s4 =	sld [smem:$0x3FB2]  }
0x2a: {  	p0 =	seq.s32 s5, $0x0;
	s5 =	sld [smem:$0x3FB3]  }
0x2b: {  	s6 =	sld [smem:$0x3FB4]  }
0x2c: {  	s7 =	sld [smem:$0x3FB5]  }
0x2d: {  	s3 =	simm.s32 $0x108;
	s8 =	sld [smem:$0x3FB6]  }
0x2e: {  	s3 =	simm.s32 @!p0 $0x1082;
	s9 =	sld [smem:$0x3FB7]  }
0x2f: {  	lr =	sadd.s32 s0, s3;
	s0 =	sld [smem:$0x3FAE]  }
0x30: {  	s3 =	sld [smem:$0x3FB1]  }
0x31: {  	[smem:$0x3FBA] =	sst s10  }
0x32: {  	s10 =	sld [smem:$0x3FB8];
	_ =	sdelay $0x3  }
0x33: {  	p0 =	seq.s32 s10, $0x1;
	s10 =	sld [smem:$0x3FBA];
	_ =	sdelay $0x3  }
0x34: {  	[smem:$0x3FBA] =	sst s10  }
0x35: {  	s10 =	sld [smem:$0x3FB9];
	_ =	sdelay $0x3  }
0x36: {  	p1 =	seq.s32 s10, $0x1;
	s10 =	sld [smem:$0x3FBA];
	_ =	sdelay $0x3  }
0x37: {  	[smem:$0x3FBA] =	sst s10  }
0x38: {  	s10 =	sld [smem:$0x3FBB]  }
0x39: {  	_ = 	snop;
	(pc) =	sbr.ind lr, $3  }
0x3a: {  	_ = 	snop  }
0x3b: {  	_ = 	snop  }
0x3c: {  	p2 =	seq.s32 s10, $0x1;
	s10 =	sld [smem:$0x3FBA]  }
0x3d: {  	_ =	shalt  }
0x3e: {  	_ =	shalt  }
0x3f: {  	_ =	shalt  }
0x40: {  	_ =	shalt  }
0x41: {  	_ =	shalt  }
0x42: {  	_ =	shalt  }
0x43: {  	_ =	shalt  }
0x44: {  	_ =	shalt  }
0x45: {  	_ =	shalt  }
0x46: {  	_ =	shalt  }
0x47: {  	_ =	shalt  }
0x48: {  	_ =	shalt  }
0x49: {  	_ =	shalt  }
0x4a: {  	_ =	shalt  }
0x4b: {  	_ =	shalt  }
0x4c: {  	_ =	shalt  }
0x4d: {  	_ =	shalt  }
0x4e: {  	_ =	shalt  }
0x4f: {  	_ =	shalt  }
0x50: {  	_ =	shalt  }
0x51: {  	_ =	shalt  }
0x52: {  	_ =	shalt  }
0x53: {  	_ =	shalt  }
0x54: {  	_ =	shalt  }
0x55: {  	_ =	shalt  }
0x56: {  	_ =	shalt  }
0x57: {  	_ =	shalt  }
0x58: {  	_ =	shalt  }
0x59: {  	_ =	shalt  }
0x5a: {  	_ =	shalt  }
0x5b: {  	_ =	shalt  }
0x5c: {  	_ =	shalt  }
0x5d: {  	_ =	shalt  }
0x5e: {  	_ =	shalt  }
0x5f: {  	_ =	shalt  }
0x60: {  	_ =	shalt  }
0x61: {  	_ =	shalt  }
0x62: {  	_ =	shalt  }
0x63: {  	_ =	shalt  }
0x64: {  	_ =	shalt  }
0x65: {  	_ =	shalt  }
0x66: {  	_ =	shalt  }
0x67: {  	_ =	shalt  }
0x68: {  	_ =	shalt  }
0x69: {  	_ =	shalt  }
0x6a: {  	_ =	shalt  }
0x6b: {  	_ =	shalt  }
0x6c: {  	_ =	shalt  }
0x6d: {  	_ =	shalt  }
0x6e: {  	_ =	shalt  }
0x6f: {  	_ =	shalt  }
0x70: {  	_ =	shalt  }
0x71: {  	_ =	shalt  }
0x72: {  	_ =	shalt  }
0x73: {  	_ =	shalt  }
0x74: {  	_ =	shalt  }
0x75: {  	_ =	shalt  }
0x76: {  	_ =	shalt  }
0x77: {  	_ =	shalt  }
0x78: {  	_ =	shalt  }
0x79: {  	_ =	shalt  }
0x7a: {  	_ =	shalt  }
0x7b: {  	_ =	shalt  }
0x7c: {  	_ =	shalt  }
0x7d: {  	_ =	shalt  }
0x7e: {  	_ =	shalt  }
0x7f: {  	_ =	shalt  }
0x80: {  	_ =	shalt  }
0x81: {  	_ =	shalt  }
0x82: {  	_ =	shalt  }
0x83: {  	_ =	shalt  }
0x84: {  	_ =	shalt  }
0x85: {  	_ =	shalt  }
0x86: {  	_ =	shalt  }
0x87: {  	_ =	shalt  }
.Lfunc_end0:
.L_simem_size_0:
called_computation_lowered:
.L_overlay_start_0:
0x88: {  	s2 =	sld [smem:$0x3FD9]  }
0x89: {  	s3 =	sld [smem:$0x3FFE];
	_ =	sdelay $0x1  }
0x8a: {  	s1 =	srdreg.scid  }
0x8b: {  	s0 =	sand.u32 $0x1, s1  }
0x8c: {  	s17 =	sshll.u32 s0, $0xA;
	s2 =	sadd.s32 s3, s2  }
0x8d: {  	s2 =	sadd.s32 s2, s17  }
0x8e: {  	[smem:$0x3FC6] =	sst s2  }
0x8f: {  	_ = 	snop  }
0x90: {  	s2 =	sld [smem:$0x3FC8]  }
0x91: {  	s18 =	sld [smem:$0x3FD0];
	(tm) =	ssettm $0x1  }
0x92: {  	s4 =	sld [smem:$0x3FFB];
	_ =	sdelay $0x3  }
0x93: {  	_ =	strace s4  }
0x94: {  	s4 =	sld [smem:$0x3FFC];
	_ =	sdelay $0x3  }
0x95: {  	_ =	strace s4  }
0x96: {  	s4 =	sld [smem:$0x3FFD];
	_ =	sdelay $0x3  }
0x97: {  	_ =	strace s4  }
0x98: {  	_ =	strace $0x8FFFFFFF  }
0x99: {  	s19 =	sld [smem:$0x3FDB];
	_ =	sdelay $0x1  }
0x9a: {  	s5 =	simm.s32 $_scs_section_size  }
0x9b: {  	s6 =	simm.s32 $_size__tile_overlayer_lowered;
	s7 =	simm.s32 $_tile_overlayer_lowered  }
0x9c: {  	s22 =	simm.s32 $0x1BFF;
	s21 =	sshll.u32 s7, $0x1;
	s4 =	sadd.s32 s5, s19  }
0x9d: {  	s8 =	simm.s32 $0x0;
	s20 =	sshll.u32 s6, $0x1;
	s6 =	sadd.s32 s21, s4  }
0x9e: {  	[timem:s8], [sflag:s22] =	dma.local [hbm:s6], s20  }
0x9f: {  	_ =	swait.ge [sflag:s22], s20  }
0xa0: {  	s5 =	ssub.s32 $0x0, s20;
	[sflag:s22] =	ssyncset.done $0x0  }
0xa1: {  	[sflag:s22] =	ssyncadd.s32 s5;
	_ =	sdelay $0x1  }
0xa2: {  	s23 =	simm.s32 $0x1B8B  }
0xa3: {  	_ =	swait.ge [sflag:s23], $0x1  }
0xa4: {  	[sflag:s23] =	ssyncset.done $0x0  }
0xa5: {  	s25 =	simm.s32 $0x1B8E;
	s24 =	sld [smem:$0x3FFE];
	[sflag:s23] =	ssyncadd.s32 $0xFFFFFFFF  }
0xa6: {  	s26 =	simm.s32 $execute0_lowered;
	[smem:$0x3FD2] =	sst s25  }
0xa7: {  	s6 =	sshll.u32 s26, $0x1;
	_ =	strace $0x80000046;
	[dreg:$0x1] =	wrdreg $0xFFFFFFFF  }
0xa8: {  	s28 =	simm.s32 $_size_execute0_lowered;
	s4 =	sadd.s32 s4, s6;
	[dreg:$0x0] =	wrdreg $0x0  }
0xa9: {  	s6 =	sshll.u32 s28, $0x1;
	[dreg:$0x2] =	wrdreg s4  }
0xaa: {  	[dreg:$0x3] =	wrdreg s6  }
0xab: {  	[dreg:$0x4] =	wrdreg $0xC0  }
0xac: {  	_ =	task [dreg:s8], $0x5FFFF  }
0xad: {  	[dreg:$0x1] =	wrdreg $0xFFFFFFFF  }
0xae: {  	[dreg:$0x0] =	wrdreg $0x60  }
0xaf: {  	[dreg:$0x2] =	wrdreg s24  }
0xb0: {  	[dreg:$0x3] =	wrdreg s2  }
0xb1: {  	[dreg:$0x4] =	wrdreg s18  }
0xb2: {  	[dreg:$0x5] =	wrdreg $0x9  }
0xb3: {  	_ =	task.clear_ibuf [dreg:s8], $0x6FFFF;
	_ =	strace $0x90000046  }
0xb4: {  	s29 =	simm.s32 $0x9;
	_ =	strace $0x80000048  }
0xb5: {  	_ =	swait.ge [sflag:s29], $0x1  }
0xb6: {  	[sflag:s29] =	ssyncadd.s32 $0xFFFFFFFF  }
0xb7: {  	_ =	strace $0x90000048  }
0xb8: {  	_ =	sfence  }
0xb9: {  	s30 =	sld [smem:$0x0];
	_ =	sdelay $0x2  }
0xba: {  	s31 =	sshll.u32 s1, $0xD;
	s1 =	sshrl.u32 s1, $0x2  }
0xbb: {  	s3 =	sand.u32 $0x4000, s31;
	s1 =	sadd.s32 s1, s30  }
0xbc: {  	s0 =	sor.u32 s3, s0;
	s1 =	sshll.u32 s1, $0x11  }
0xbd: {  	s0 =	sor.u32 s1, s0  }
0xbe: {  	s0 =	sadd.s32 $0x8F2B, s0  }
0xbf: {  	[sflag:s0] =	ssyncadd.remote.s32 $0x1  }
0xc0: {  	_ =	sfence.sel $0xFFFF  }
0xc1: {  	[dreg:$0x0] =	wrdreg $0xFFFFFFFF;
	(pc) =	sbr.abs _section_cstart, $3  }
0xc2: {  	[dreg:$0x1] =	wrdreg $0xFFFFFFFF  }
0xc3: {  	_ =	task.clear_ibuf [dreg:s8], $0x2FFFF;
	_ =	strace $0x9FFFFFFF  }
0xc4: {  	(tm) =	ssettm $0x7FFFFFFF  }
0xc5: {  	_ =	shalt  }
tec
execute0_lowered:
.L_overlay_start_1:
0x0: {  	(tag) =	ssettag $0x1  }
0x1: {  	s1 =	srdreg.scid;
	s4 =	rddreg [dreg:$0x0]  }
0x2: {  	s0 =	stileid.u32;
	s2 =	rddreg [dreg:$0x1]  }
0x3: {  	s6 =	rddreg [dreg:$0x2];
	s3 =	simm.s32 $0x0;
	s5 =	sand.u32 $0x1, s1  }
0x4: {  	s29 =	sshll.u32 s0, $0x1;
	s8 =	smul.u32 $0xC8000, s0;
	[smem:$0x7FF] =	sst s3  }
0x5: {  	s1 =	sor.u32 s5, s29;
	s30 =	ssub.s32 $0x2, s5;
	s5 =	smul.u32 $0x64000, s5  }
0x6: {  	s7 =	smul.u32 $0xC80, s1;
	s1 =	rddreg [dreg:$0x3];
	s6 =	sadd.s32 s8, s6  }
0x7: {  	s31 =	sshrl.u32 s30, $0x1;
	_ =	strace $0x80000047;
	s6 =	sadd.s32 s5, s6  }
0x8: {  	s8 =	simm.s32 $0x0;
	s7 =	sshrl.u32 s7, $0x3;
	[dreg:$0x4] =	wrdreg s6  }
0x9: {  	s6 =	simm.s32 $0x2;
	s4 =	sadd.s32 s7, s4;
	s7 =	ssub.s32 s30, s31  }
0xa: {  	s4 =	sadd.s32 $0x400, s4;
	s5 =	smax.u32 s7, $0x1;
	s7 =	simm.s32 $0x1  }
.LBB2_1:
0xb: {  	[tilespmem:s3], [sflag:$0x2] =	stream.linear.gather [hbm4b:s2+s3], $0x1A000, $0x38;
	[tilespmem:$0x1AC80] =	vst v63  }
0xc: {  	_ =	swait.ge [sflag:s6], $0x1A000  }
0xd: {  	[sflag:s6] =	ssyncset.done $0x0  }
0xe: {  	s9 =	simm.s32 $0x1A000;
	[sflag:s6] =	ssyncadd.s32 $0xFFFE6000  }
0xf: {  	[tilespmem:s9], [sflag:$0x2] =	stream.linear.gather [hbm4b:s4+s3], $0xC80, $0x38;
	[tilespmem:$0x1AC80] =	vst v63  }
0x10: {  	_ =	swait.ge [sflag:s6], $0xC80  }
0x11: {  	[sflag:s6] =	ssyncset.done $0x0  }
0x12: {  	[sflag:s6] =	ssyncadd.s32 $0xFFFFF380  }
0x13: {  	v0 =	vld [tilespmem:s9+$0x0];
	_ =	sdelay $0x4  }
0x14: {  	(v2sf) =	vpush v0, $0x0;
	_ =	sdelay $0x8  }
0x15: {  	(v2sf) =	vpush v0, $0x1;
	_ =	sdelay $0x5  }
0x16: {  	s10 =	spop (v2sf)  }
0x17: {  	s11 =	sshll.u32 s10, $0xA;
	s10 =	sshll.u32 s10, $0x7  }
0x18: {  	s22 =	rddreg [dreg:$0x4];
	s11 =	sand.u32 $0xFFFFE000, s11;
	s12 =	sand.u32 $0x380, s10  }
0x19: {  	s10 =	sadd.s32 $0x0, s22;
	s23 =	sor.u32 s12, s11  }
0x1a: {  	[hbm4b:s10+s3] =	stream.linear.scatter [tilespmem:s23], [sflag:$0x1], $0x80, $0x38;
	[tilespmem:$0x1AC80] =	vst v63  }
0x1b: {  	s24 =	sadd.s32 $0x80, s10;
	s12 =	sor.u32 $0x400, s23  }
0x1c: {  	[hbm4b:s24+s3] =	stream.linear.scatter [tilespmem:s12], [sflag:$0x1], $0x80, $0x38;
	[tilespmem:$0x1AC80] =	vst v63  }
0x1d: {  	s26 =	sadd.s32 $0x100, s10;
	s25 =	sor.u32 $0x800, s23  }
0x1e: {  	[hbm4b:s26+s3] =	stream.linear.scatter [tilespmem:s25], [sflag:$0x1], $0x80, $0x38;
	[tilespmem:$0x1AC80] =	vst v63  }
0x1f: {  	s28 =	spop (v2sf);
	s13 =	sadd.s32 $0x180, s10;
	s29 =	sor.u32 $0xC00, s23  }
0x20: {  	(v2sf) =	vpush v0, $0x2;
	[hbm4b:s13+s3] =	stream.linear.scatter [tilespmem:s29], [sflag:$0x1], $0x80, $0x38;
	[tilespmem:$0x1AC80] =	vst v63  }
0x21: {  	s30 =	sshll.u32 s28, $0xA;
	s14 =	sadd.s32 $0x200, s10;
	s31 =	sor.u32 $0x1000, s23  }
0x22: {  	[hbm4b:s14+s3] =	stream.linear.scatter [tilespmem:s31], [sflag:$0x1], $0x80, $0x38;
	[tilespmem:$0x1AC80] =	vst v63  }
0x23: {  	s11 =	sshll.u32 s28, $0x7;
	s16 =	sadd.s32 $0x280, s10;
	s15 =	sor.u32 $0x1400, s23  }
0x24: {  	[hbm4b:s16+s3] =	stream.linear.scatter [tilespmem:s15], [sflag:$0x1], $0x80, $0x38;
	[tilespmem:$0x1AC80] =	vst v63  }
0x25: {  	s18 =	sadd.s32 $0x300, s10;
	s19 =	sadd.s32 $0x380, s10;
	s17 =	sor.u32 $0x1800, s23  }
0x26: {  	[hbm4b:s18+s3] =	stream.linear.scatter [tilespmem:s17], [sflag:$0x1], $0x80, $0x38;
	[tilespmem:$0x1AC80] =	vst v63  }
0x27: {  	s11 =	sand.u32 $0x380, s11;
	s9 =	sor.u32 $0x1C00, s23;
	s12 =	sand.u32 $0xFFFFE000, s30  }
0x28: {  	[hbm4b:s19+s3] =	stream.linear.scatter [tilespmem:s9], [sflag:$0x1], $0x80, $0x38;
	[tilespmem:$0x1AC80] =	vst v63  }
0x29: {  	s20 =	sadd.s32 $0x10, s10;
	s11 =	sor.u32 s11, s12  }
0x2a: {  	[hbm4b:s20+s3] =	stream.linear.scatter [tilespmem:s11], [sflag:$0x1], $0x80, $0x38;
	[tilespmem:$0x1AC80] =	vst v63  }
0x2b: {  	s22 =	sadd.s32 $0x90, s10;
	s21 =	sor.u32 $0x400, s11  }
0x2c: {  	[hbm4b:s22+s3] =	stream.linear.scatter [tilespmem:s21], [sflag:$0x1], $0x80, $0x38;
	[tilespmem:$0x1AC80] =	vst v63  }
0x2d: {  	s24 =	sadd.s32 $0x110, s10;
	s23 =	sor.u32 $0x800, s11  }
0x2e: {  	[hbm4b:s24+s3] =	stream.linear.scatter [tilespmem:s23], [sflag:$0x1], $0x80, $0x38;
	[tilespmem:$0x1AC80] =	vst v63  }
0x2f: {  	s28 =	sadd.s32 $0x190, s10;
	s26 =	sor.u32 $0xC00, s11;
	s25 =	spop (v2sf)  }
0x30: {  	(v2sf) =	vpush v0, $0x3;
	[hbm4b:s28+s3] =	stream.linear.scatter [tilespmem:s26], [sflag:$0x1], $0x80, $0x38;
	[tilespmem:$0x1AC80] =	vst v63  }
0x31: {  	s30 =	sor.u32 $0x1000, s11;
	s31 =	sadd.s32 $0x210, s10;
	s15 =	sor.u32 $0x1400, s11  }
0x32: {  	[hbm4b:s31+s3] =	stream.linear.scatter [tilespmem:s30], [sflag:$0x1], $0x80, $0x38;
	[tilespmem:$0x1AC80] =	vst v63  }
0x33: {  	s16 =	sadd.s32 $0x290, s10;
	s29 =	sshll.u32 s25, $0xA;
	s17 =	sor.u32 $0x1800, s11  }
0x34: {  	[hbm4b:s16+s3] =	stream.linear.scatter [tilespmem:s15], [sflag:$0x1], $0x80, $0x38;
	[tilespmem:$0x1AC80] =	vst v63  }
0x35: {  	s18 =	sadd.s32 $0x310, s10;
	s12 =	sand.u32 $0xFFFFE000, s29;
	s9 =	sshll.u32 s25, $0x7  }
0x36: {  	[hbm4b:s18+s3] =	stream.linear.scatter [tilespmem:s17], [sflag:$0x1], $0x80, $0x38;
	[tilespmem:$0x1AC80] =	vst v63  }
0x37: {  	s19 =	sadd.s32 $0x390, s10;
	s9 =	sand.u32 $0x380, s9;
	s11 =	sor.u32 $0x1C00, s11  }
0x38: {  	[hbm4b:s19+s3] =	stream.linear.scatter [tilespmem:s11], [sflag:$0x1], $0x80, $0x38;
	[tilespmem:$0x1AC80] =	vst v63  }
0x39: {  	s20 =	sadd.s32 $0x20, s10;
	s9 =	sor.u32 s9, s12  }
0x3a: {  	[hbm4b:s20+s3] =	stream.linear.scatter [tilespmem:s9], [sflag:$0x1], $0x80, $0x38;
	[tilespmem:$0x1AC80] =	vst v63  }
0x3b: {  	s21 =	sor.u32 $0x400, s9;
	s22 =	sadd.s32 $0xA0, s10  }
0x3c: {  	[hbm4b:s22+s3] =	stream.linear.scatter [tilespmem:s21], [sflag:$0x1], $0x80, $0x38;
	[tilespmem:$0x1AC80] =	vst v63  }
0x3d: {  	s23 =	sor.u32 $0x800, s9;
	s24 =	sadd.s32 $0x120, s10  }
0x3e: {  	[hbm4b:s24+s3] =	stream.linear.scatter [tilespmem:s23], [sflag:$0x1], $0x80, $0x38;
	[tilespmem:$0x1AC80] =	vst v63  }
0x3f: {  	s26 =	sor.u32 $0xC00, s9;
	s28 =	sadd.s32 $0x1A0, s10;
	s25 =	spop (v2sf)  }
0x40: {  	(v2sf) =	vpush v0, $0x4;
	[hbm4b:s28+s3] =	stream.linear.scatter [tilespmem:s26], [sflag:$0x1], $0x80, $0x38;
	[tilespmem:$0x1AC80] =	vst v63  }
0x41: {  	s14 =	sor.u32 $0x1400, s9;
	s30 =	sor.u32 $0x1000, s9;
	s31 =	sadd.s32 $0x220, s10  }
0x42: {  	[hbm4b:s31+s3] =	stream.linear.scatter [tilespmem:s30], [sflag:$0x1], $0x80, $0x38;
	[tilespmem:$0x1AC80] =	vst v63  }
0x43: {  	s15 =	sadd.s32 $0x2A0, s10;
	s16 =	sor.u32 $0x1800, s9;
	s29 =	sshll.u32 s25, $0xA  }
0x44: {  	[hbm4b:s15+s3] =	stream.linear.scatter [tilespmem:s14], [sflag:$0x1], $0x80, $0x38;
	[tilespmem:$0x1AC80] =	vst v63  }
0x45: {  	s12 =	sand.u32 $0xFFFFE000, s29;
	s17 =	sadd.s32 $0x320, s10;
	s11 =	sshll.u32 s25, $0x7  }
0x46: {  	[hbm4b:s17+s3] =	stream.linear.scatter [tilespmem:s16], [sflag:$0x1], $0x80, $0x38;
	[tilespmem:$0x1AC80] =	vst v63  }
0x47: {  	s18 =	sadd.s32 $0x3A0, s10;
	s11 =	sand.u32 $0x380, s11;
	s9 =	sor.u32 $0x1C00, s9  }
0x48: {  	[hbm4b:s18+s3] =	stream.linear.scatter [tilespmem:s9], [sflag:$0x1], $0x80, $0x38;
	[tilespmem:$0x1AC80] =	vst v63  }
0x49: {  	s19 =	sor.u32 s11, s12;
	s20 =	sadd.s32 $0x30, s10  }
0x4a: {  	[hbm4b:s20+s3] =	stream.linear.scatter [tilespmem:s19], [sflag:$0x1], $0x80, $0x38;
	[tilespmem:$0x1AC80] =	vst v63  }
0x4b: {  	s21 =	sor.u32 $0x400, s19;
	s22 =	sadd.s32 $0xB0, s10  }
0x4c: {  	[hbm4b:s22+s3] =	stream.linear.scatter [tilespmem:s21], [sflag:$0x1], $0x80, $0x38;
	[tilespmem:$0x1AC80] =	vst v63  }
0x4d: {  	s23 =	sor.u32 $0x800, s19;
	s24 =	sadd.s32 $0x130, s10  }
0x4e: {  	[hbm4b:s24+s3] =	stream.linear.scatter [tilespmem:s23], [sflag:$0x1], $0x80, $0x38;
	[tilespmem:$0x1AC80] =	vst v63  }
0x4f: {  	s26 =	sor.u32 $0xC00, s19;
	s28 =	sadd.s32 $0x1B0, s10;
	s25 =	spop (v2sf)  }
0x50: {  	(v2sf) =	vpush v0, $0x5;
	[hbm4b:s28+s3] =	stream.linear.scatter [tilespmem:s26], [sflag:$0x1], $0x80, $0x38;
	[tilespmem:$0x1AC80] =	vst v63  }
0x51: {  	s30 =	sor.u32 $0x1000, s19;
	s31 =	sadd.s32 $0x230, s10;
	s29 =	sshll.u32 s25, $0xA  }
0x52: {  	[hbm4b:s31+s3] =	stream.linear.scatter [tilespmem:s30], [sflag:$0x1], $0x80, $0x38;
	[tilespmem:$0x1AC80] =	vst v63  }
0x53: {  	s14 =	sor.u32 $0x1400, s19;
	s15 =	sadd.s32 $0x2B0, s10;
	s11 =	sshll.u32 s25, $0x7  }
0x54: {  	[hbm4b:s15+s3] =	stream.linear.scatter [tilespmem:s14], [sflag:$0x1], $0x80, $0x38;
	[tilespmem:$0x1AC80] =	vst v63  }
0x55: {  	s12 =	sand.u32 $0xFFFFE000, s29;
	s16 =	sor.u32 $0x1800, s19;
	s17 =	sadd.s32 $0x330, s10  }
0x56: {  	[hbm4b:s17+s3] =	stream.linear.scatter [tilespmem:s16], [sflag:$0x1], $0x80, $0x38;
	[tilespmem:$0x1AC80] =	vst v63  }
0x57: {  	s11 =	sand.u32 $0x380, s11;
	s9 =	sor.u32 $0x1C00, s19;
	s18 =	sadd.s32 $0x3B0, s10  }
0x58: {  	[hbm4b:s18+s3] =	stream.linear.scatter [tilespmem:s9], [sflag:$0x1], $0x80, $0x38;
	[tilespmem:$0x1AC80] =	vst v63  }
0x59: {  	s19 =	sor.u32 s11, s12;
	s20 =	sadd.s32 $0x40, s10  }
0x5a: {  	[hbm4b:s20+s3] =	stream.linear.scatter [tilespmem:s19], [sflag:$0x1], $0x80, $0x38;
	[tilespmem:$0x1AC80] =	vst v63  }
0x5b: {  	s21 =	sor.u32 $0x400, s19;
	s22 =	sadd.s32 $0xC0, s10  }
0x5c: {  	[hbm4b:s22+s3] =	stream.linear.scatter [tilespmem:s21], [sflag:$0x1], $0x80, $0x38;
	[tilespmem:$0x1AC80] =	vst v63  }
0x5d: {  	s23 =	sor.u32 $0x800, s19;
	s24 =	sadd.s32 $0x140, s10  }
0x5e: {  	[hbm4b:s24+s3] =	stream.linear.scatter [tilespmem:s23], [sflag:$0x1], $0x80, $0x38;
	[tilespmem:$0x1AC80] =	vst v63  }
0x5f: {  	s26 =	sor.u32 $0xC00, s19;
	s28 =	sadd.s32 $0x1C0, s10;
	s25 =	spop (v2sf)  }
0x60: {  	(v2sf) =	vpush v0, $0x6;
	[hbm4b:s28+s3] =	stream.linear.scatter [tilespmem:s26], [sflag:$0x1], $0x80, $0x38;
	[tilespmem:$0x1AC80] =	vst v63  }
0x61: {  	s30 =	sor.u32 $0x1000, s19;
	s31 =	sadd.s32 $0x240, s10;
	s29 =	sshll.u32 s25, $0xA  }
0x62: {  	[hbm4b:s31+s3] =	stream.linear.scatter [tilespmem:s30], [sflag:$0x1], $0x80, $0x38;
	[tilespmem:$0x1AC80] =	vst v63  }
0x63: {  	s11 =	sshll.u32 s25, $0x7;
	s14 =	sor.u32 $0x1400, s19;
	s15 =	sadd.s32 $0x2C0, s10  }
0x64: {  	[hbm4b:s15+s3] =	stream.linear.scatter [tilespmem:s14], [sflag:$0x1], $0x80, $0x38;
	[tilespmem:$0x1AC80] =	vst v63  }
0x65: {  	s12 =	sand.u32 $0xFFFFE000, s29;
	s16 =	sor.u32 $0x1800, s19;
	s17 =	sadd.s32 $0x340, s10  }
0x66: {  	[hbm4b:s17+s3] =	stream.linear.scatter [tilespmem:s16], [sflag:$0x1], $0x80, $0x38;
	[tilespmem:$0x1AC80] =	vst v63  }
0x67: {  	s11 =	sand.u32 $0x380, s11;
	s9 =	sor.u32 $0x1C00, s19;
	s18 =	sadd.s32 $0x3C0, s10  }
0x68: {  	[hbm4b:s18+s3] =	stream.linear.scatter [tilespmem:s9], [sflag:$0x1], $0x80, $0x38;
	[tilespmem:$0x1AC80] =	vst v63  }
0x69: {  	s19 =	sor.u32 s11, s12;
	s20 =	sadd.s32 $0x50, s10  }
0x6a: {  	[hbm4b:s20+s3] =	stream.linear.scatter [tilespmem:s19], [sflag:$0x1], $0x80, $0x38;
	[tilespmem:$0x1AC80] =	vst v63  }
0x6b: {  	s21 =	sor.u32 $0x400, s19;
	s22 =	sadd.s32 $0xD0, s10  }
0x6c: {  	[hbm4b:s22+s3] =	stream.linear.scatter [tilespmem:s21], [sflag:$0x1], $0x80, $0x38;
	[tilespmem:$0x1AC80] =	vst v63  }
0x6d: {  	s23 =	sor.u32 $0x800, s19;
	s24 =	sadd.s32 $0x150, s10  }
0x6e: {  	[hbm4b:s24+s3] =	stream.linear.scatter [tilespmem:s23], [sflag:$0x1], $0x80, $0x38;
	[tilespmem:$0x1AC80] =	vst v63  }
0x6f: {  	s26 =	sor.u32 $0xC00, s19;
	s28 =	sadd.s32 $0x1D0, s10;
	s25 =	spop (v2sf)  }
0x70: {  	(v2sf) =	vpush v0, $0x7;
	[hbm4b:s28+s3] =	stream.linear.scatter [tilespmem:s26], [sflag:$0x1], $0x80, $0x38;
	[tilespmem:$0x1AC80] =	vst v63  }
0x71: {  	s29 =	sshll.u32 s25, $0xA;
	s30 =	sor.u32 $0x1000, s19;
	s31 =	sadd.s32 $0x250, s10  }
0x72: {  	[hbm4b:s31+s3] =	stream.linear.scatter [tilespmem:s30], [sflag:$0x1], $0x80, $0x38;
	[tilespmem:$0x1AC80] =	vst v63  }
0x73: {  	s11 =	sshll.u32 s25, $0x7;
	s14 =	sor.u32 $0x1400, s19;
	s15 =	sadd.s32 $0x2D0, s10  }
0x74: {  	[hbm4b:s15+s3] =	stream.linear.scatter [tilespmem:s14], [sflag:$0x1], $0x80, $0x38;
	[tilespmem:$0x1AC80] =	vst v63  }
0x75: {  	s12 =	sand.u32 $0xFFFFE000, s29;
	s16 =	sor.u32 $0x1800, s19;
	s17 =	sadd.s32 $0x350, s10  }
0x76: {  	[hbm4b:s17+s3] =	stream.linear.scatter [tilespmem:s16], [sflag:$0x1], $0x80, $0x38;
	[tilespmem:$0x1AC80] =	vst v63  }
0x77: {  	s11 =	sand.u32 $0x380, s11;
	s9 =	sor.u32 $0x1C00, s19;
	s18 =	sadd.s32 $0x3D0, s10  }
0x78: {  	[hbm4b:s18+s3] =	stream.linear.scatter [tilespmem:s9], [sflag:$0x1], $0x80, $0x38;
	[tilespmem:$0x1AC80] =	vst v63  }
0x79: {  	s19 =	sor.u32 s11, s12;
	s20 =	sadd.s32 $0x60, s10  }
0x7a: {  	[hbm4b:s20+s3] =	stream.linear.scatter [tilespmem:s19], [sflag:$0x1], $0x80, $0x38;
	[tilespmem:$0x1AC80] =	vst v63  }
0x7b: {  	s21 =	sor.u32 $0x400, s19;
	s22 =	sadd.s32 $0xE0, s10  }
0x7c: {  	[hbm4b:s22+s3] =	stream.linear.scatter [tilespmem:s21], [sflag:$0x1], $0x80, $0x38;
	[tilespmem:$0x1AC80] =	vst v63  }
0x7d: {  	s23 =	sor.u32 $0x800, s19;
	s24 =	sadd.s32 $0x160, s10  }
0x7e: {  	[hbm4b:s24+s3] =	stream.linear.scatter [tilespmem:s23], [sflag:$0x1], $0x80, $0x38;
	[tilespmem:$0x1AC80] =	vst v63  }
0x7f: {  	s25 =	spop (v2sf);
	s26 =	sor.u32 $0xC00, s19;
	s28 =	sadd.s32 $0x1E0, s10  }
0x80: {  	(v2sf) =	vpush v0, $0x8;
	[hbm4b:s28+s3] =	stream.linear.scatter [tilespmem:s26], [sflag:$0x1], $0x80, $0x38;
	[tilespmem:$0x1AC80] =	vst v63  }
0x81: {  	s29 =	sshll.u32 s25, $0xA;
	s30 =	sor.u32 $0x1000, s19;
	s31 =	sadd.s32 $0x260, s10  }
0x82: {  	[hbm4b:s31+s3] =	stream.linear.scatter [tilespmem:s30], [sflag:$0x1], $0x80, $0x38;
	[tilespmem:$0x1AC80] =	vst v63  }
0x83: {  	s11 =	sshll.u32 s25, $0x7;
	s14 =	sor.u32 $0x1400, s19;
	s15 =	sadd.s32 $0x2E0, s10  }
0x84: {  	[hbm4b:s15+s3] =	stream.linear.scatter [tilespmem:s14], [sflag:$0x1], $0x80, $0x38;
	[tilespmem:$0x1AC80] =	vst v63  }
0x85: {  	s12 =	sand.u32 $0xFFFFE000, s29;
	s16 =	sor.u32 $0x1800, s19;
	s17 =	sadd.s32 $0x360, s10  }
0x86: {  	[hbm4b:s17+s3] =	stream.linear.scatter [tilespmem:s16], [sflag:$0x1], $0x80, $0x38;
	[tilespmem:$0x1AC80] =	vst v63  }
0x87: {  	s11 =	sand.u32 $0x380, s11;
	s9 =	sor.u32 $0x1C00, s19;
	s18 =	sadd.s32 $0x3E0, s10  }
0x88: {  	[hbm4b:s18+s3] =	stream.linear.scatter [tilespmem:s9], [sflag:$0x1], $0x80, $0x38;
	[tilespmem:$0x1AC80] =	vst v63  }
0x89: {  	s19 =	sor.u32 s11, s12;
	s20 =	sadd.s32 $0x70, s10  }
0x8a: {  	[hbm4b:s20+s3] =	stream.linear.scatter [tilespmem:s19], [sflag:$0x1], $0x80, $0x38;
	[tilespmem:$0x1AC80] =	vst v63  }
0x8b: {  	s21 =	sor.u32 $0x400, s19;
	s22 =	sadd.s32 $0xF0, s10  }
0x8c: {  	[hbm4b:s22+s3] =	stream.linear.scatter [tilespmem:s21], [sflag:$0x1], $0x80, $0x38;
	[tilespmem:$0x1AC80] =	vst v63  }
0x8d: {  	s23 =	sor.u32 $0x800, s19;
	s24 =	sadd.s32 $0x170, s10  }
0x8e: {  	[hbm4b:s24+s3] =	stream.linear.scatter [tilespmem:s23], [sflag:$0x1], $0x80, $0x38;
	[tilespmem:$0x1AC80] =	vst v63  }
0x8f: {  	s25 =	spop (v2sf);
	s26 =	sor.u32 $0xC00, s19;
	s28 =	sadd.s32 $0x1F0, s10  }
0x90: {  	(v2sf) =	vpush v0, $0x9;
	[hbm4b:s28+s3] =	stream.linear.scatter [tilespmem:s26], [sflag:$0x1], $0x80, $0x38;
	[tilespmem:$0x1AC80] =	vst v63  }
0x91: {  	s29 =	sshll.u32 s25, $0xA;
	s30 =	sor.u32 $0x1000, s19;
	s31 =	sadd.s32 $0x270, s10  }
0x92: {  	[hbm4b:s31+s3] =	stream.linear.scatter [tilespmem:s30], [sflag:$0x1], $0x80, $0x38;
	[tilespmem:$0x1AC80] =	vst v63  }
0x93: {  	s11 =	sshll.u32 s25, $0x7;
	s15 =	sor.u32 $0x1400, s19;
	s16 =	sadd.s32 $0x2F0, s10  }
0x94: {  	[hbm4b:s16+s3] =	stream.linear.scatter [tilespmem:s15], [sflag:$0x1], $0x80, $0x38;
	[tilespmem:$0x1AC80] =	vst v63  }
0x95: {  	s12 =	sand.u32 $0xFFFFE000, s29;
	s17 =	sor.u32 $0x1800, s19;
	s18 =	sadd.s32 $0x370, s10  }
0x96: {  	[hbm4b:s18+s3] =	stream.linear.scatter [tilespmem:s17], [sflag:$0x1], $0x80, $0x38;
	[tilespmem:$0x1AC80] =	vst v63  }
0x97: {  	s11 =	sand.u32 $0x380, s11;
	s9 =	sor.u32 $0x1C00, s19;
	s19 =	sadd.s32 $0x3F0, s10  }
0x98: {  	[hbm4b:s19+s3] =	stream.linear.scatter [tilespmem:s9], [sflag:$0x1], $0x80, $0x38;
	[tilespmem:$0x1AC80] =	vst v63  }
0x99: {  	s11 =	sor.u32 s11, s12;
	s20 =	sadd.s32 $0x400, s10  }
0x9a: {  	[hbm4b:s20+s3] =	stream.linear.scatter [tilespmem:s11], [sflag:$0x1], $0x80, $0x38;
	[tilespmem:$0x1AC80] =	vst v63  }
0x9b: {  	s21 =	sor.u32 $0x400, s11;
	s22 =	sadd.s32 $0x480, s10  }
0x9c: {  	[hbm4b:s22+s3] =	stream.linear.scatter [tilespmem:s21], [sflag:$0x1], $0x80, $0x38;
	[tilespmem:$0x1AC80] =	vst v63  }
0x9d: {  	s23 =	sor.u32 $0x800, s11;
	s24 =	sadd.s32 $0x500, s10  }
0x9e: {  	[hbm4b:s24+s3] =	stream.linear.scatter [tilespmem:s23], [sflag:$0x1], $0x80, $0x38;
	[tilespmem:$0x1AC80] =	vst v63  }
0x9f: {  	s25 =	spop (v2sf);
	s26 =	sor.u32 $0xC00, s11;
	s28 =	sadd.s32 $0x580, s10  }
0xa0: {  	(v2sf) =	vpush v0, $0xA;
	[hbm4b:s28+s3] =	stream.linear.scatter [tilespmem:s26], [sflag:$0x1], $0x80, $0x38;
	[tilespmem:$0x1AC80] =	vst v63  }
0xa1: {  	s29 =	sshll.u32 s25, $0xA;
	s30 =	sor.u32 $0x1000, s11;
	s31 =	sadd.s32 $0x600, s10  }
0xa2: {  	[hbm4b:s31+s3] =	stream.linear.scatter [tilespmem:s30], [sflag:$0x1], $0x80, $0x38;
	[tilespmem:$0x1AC80] =	vst v63  }
0xa3: {  	s12 =	sand.u32 $0xFFFFE000, s29;
	s15 =	sor.u32 $0x1400, s11;
	s16 =	sadd.s32 $0x680, s10  }
0xa4: {  	[hbm4b:s16+s3] =	stream.linear.scatter [tilespmem:s15], [sflag:$0x1], $0x80, $0x38;
	[tilespmem:$0x1AC80] =	vst v63  }
0xa5: {  	s17 =	sor.u32 $0x1800, s11;
	s18 =	sadd.s32 $0x700, s10;
	s9 =	sshll.u32 s25, $0x7  }
0xa6: {  	[hbm4b:s18+s3] =	stream.linear.scatter [tilespmem:s17], [sflag:$0x1], $0x80, $0x38;
	[tilespmem:$0x1AC80] =	vst v63  }
0xa7: {  	s19 =	sadd.s32 $0x780, s10;
	s9 =	sand.u32 $0x380, s9;
	s11 =	sor.u32 $0x1C00, s11  }
0xa8: {  	[hbm4b:s19+s3] =	stream.linear.scatter [tilespmem:s11], [sflag:$0x1], $0x80, $0x38;
	[tilespmem:$0x1AC80] =	vst v63  }
0xa9: {  	s20 =	sadd.s32 $0x410, s10;
	s9 =	sor.u32 s9, s12  }
0xaa: {  	[hbm4b:s20+s3] =	stream.linear.scatter [tilespmem:s9], [sflag:$0x1], $0x80, $0x38;
	[tilespmem:$0x1AC80] =	vst v63  }
0xab: {  	s21 =	sor.u32 $0x400, s9;
	s22 =	sadd.s32 $0x490, s10  }
0xac: {  	[hbm4b:s22+s3] =	stream.linear.scatter [tilespmem:s21], [sflag:$0x1], $0x80, $0x38;
	[tilespmem:$0x1AC80] =	vst v63  }
0xad: {  	s23 =	sor.u32 $0x800, s9;
	s24 =	sadd.s32 $0x510, s10  }
0xae: {  	[hbm4b:s24+s3] =	stream.linear.scatter [tilespmem:s23], [sflag:$0x1], $0x80, $0x38;
	[tilespmem:$0x1AC80] =	vst v63  }
0xaf: {  	s25 =	spop (v2sf);
	s26 =	sor.u32 $0xC00, s9;
	s28 =	sadd.s32 $0x590, s10  }
0xb0: {  	(v2sf) =	vpush v0, $0xB;
	[hbm4b:s28+s3] =	stream.linear.scatter [tilespmem:s26], [sflag:$0x1], $0x80, $0x38;
	[tilespmem:$0x1AC80] =	vst v63  }
0xb1: {  	s29 =	sshll.u32 s25, $0xA;
	s30 =	sor.u32 $0x1000, s9;
	s31 =	sadd.s32 $0x610, s10  }
0xb2: {  	[hbm4b:s31+s3] =	stream.linear.scatter [tilespmem:s30], [sflag:$0x1], $0x80, $0x38;
	[tilespmem:$0x1AC80] =	vst v63  }
0xb3: {  	s14 =	sor.u32 $0x1400, s9;
	s12 =	sand.u32 $0xFFFFE000, s29;
	s15 =	sadd.s32 $0x690, s10  }
0xb4: {  	[hbm4b:s15+s3] =	stream.linear.scatter [tilespmem:s14], [sflag:$0x1], $0x80, $0x38;
	[tilespmem:$0x1AC80] =	vst v63  }
0xb5: {  	s16 =	sor.u32 $0x1800, s9;
	s17 =	sadd.s32 $0x710, s10;
	s11 =	sshll.u32 s25, $0x7  }
0xb6: {  	[hbm4b:s17+s3] =	stream.linear.scatter [tilespmem:s16], [sflag:$0x1], $0x80, $0x38;
	[tilespmem:$0x1AC80] =	vst v63  }
0xb7: {  	s18 =	sadd.s32 $0x790, s10;
	s11 =	sand.u32 $0x380, s11;
	s9 =	sor.u32 $0x1C00, s9  }
0xb8: {  	[hbm4b:s18+s3] =	stream.linear.scatter [tilespmem:s9], [sflag:$0x1], $0x80, $0x38;
	[tilespmem:$0x1AC80] =	vst v63  }
0xb9: {  	s19 =	sor.u32 s11, s12;
	s20 =	sadd.s32 $0x420, s10  }
0xba: {  	[hbm4b:s20+s3] =	stream.linear.scatter [tilespmem:s19], [sflag:$0x1], $0x80, $0x38;
	[tilespmem:$0x1AC80] =	vst v63  }
0xbb: {  	s21 =	sor.u32 $0x400, s19;
	s22 =	sadd.s32 $0x4A0, s10  }
0xbc: {  	[hbm4b:s22+s3] =	stream.linear.scatter [tilespmem:s21], [sflag:$0x1], $0x80, $0x38;
	[tilespmem:$0x1AC80] =	vst v63  }
0xbd: {  	s23 =	sor.u32 $0x800, s19;
	s24 =	sadd.s32 $0x520, s10  }
0xbe: {  	[hbm4b:s24+s3] =	stream.linear.scatter [tilespmem:s23], [sflag:$0x1], $0x80, $0x38;
	[tilespmem:$0x1AC80] =	vst v63  }
0xbf: {  	s25 =	spop (v2sf);
	s26 =	sor.u32 $0xC00, s19;
	s28 =	sadd.s32 $0x5A0, s10  }
0xc0: {  	(v2sf) =	vpush v0, $0xC;
	[hbm4b:s28+s3] =	stream.linear.scatter [tilespmem:s26], [sflag:$0x1], $0x80, $0x38;
	[tilespmem:$0x1AC80] =	vst v63  }
0xc1: {  	s29 =	sshll.u32 s25, $0xA;
	s30 =	sor.u32 $0x1000, s19;
	s31 =	sadd.s32 $0x620, s10  }
0xc2: {  	[hbm4b:s31+s3] =	stream.linear.scatter [tilespmem:s30], [sflag:$0x1], $0x80, $0x38;
	[tilespmem:$0x1AC80] =	vst v63  }
0xc3: {  	s11 =	sshll.u32 s25, $0x7;
	s14 =	sor.u32 $0x1400, s19;
	s15 =	sadd.s32 $0x6A0, s10  }
0xc4: {  	[hbm4b:s15+s3] =	stream.linear.scatter [tilespmem:s14], [sflag:$0x1], $0x80, $0x38;
	[tilespmem:$0x1AC80] =	vst v63  }
0xc5: {  	s12 =	sand.u32 $0xFFFFE000, s29;
	s16 =	sor.u32 $0x1800, s19;
	s17 =	sadd.s32 $0x720, s10  }
0xc6: {  	[hbm4b:s17+s3] =	stream.linear.scatter [tilespmem:s16], [sflag:$0x1], $0x80, $0x38;
	[tilespmem:$0x1AC80] =	vst v63  }
0xc7: {  	s11 =	sand.u32 $0x380, s11;
	s9 =	sor.u32 $0x1C00, s19;
	s18 =	sadd.s32 $0x7A0, s10  }
0xc8: {  	[hbm4b:s18+s3] =	stream.linear.scatter [tilespmem:s9], [sflag:$0x1], $0x80, $0x38;
	[tilespmem:$0x1AC80] =	vst v63  }
0xc9: {  	s19 =	sor.u32 s11, s12;
	s20 =	sadd.s32 $0x430, s10  }
0xca: {  	[hbm4b:s20+s3] =	stream.linear.scatter [tilespmem:s19], [sflag:$0x1], $0x80, $0x38;
	[tilespmem:$0x1AC80] =	vst v63  }
0xcb: {  	s21 =	sor.u32 $0x400, s19;
	s22 =	sadd.s32 $0x4B0, s10  }
0xcc: {  	[hbm4b:s22+s3] =	stream.linear.scatter [tilespmem:s21], [sflag:$0x1], $0x80, $0x38;
	[tilespmem:$0x1AC80] =	vst v63  }
0xcd: {  	s23 =	sor.u32 $0x800, s19;
	s24 =	sadd.s32 $0x530, s10  }
0xce: {  	[hbm4b:s24+s3] =	stream.linear.scatter [tilespmem:s23], [sflag:$0x1], $0x80, $0x38;
	[tilespmem:$0x1AC80] =	vst v63  }
0xcf: {  	s25 =	spop (v2sf);
	s26 =	sor.u32 $0xC00, s19;
	s28 =	sadd.s32 $0x5B0, s10  }
0xd0: {  	(v2sf) =	vpush v0, $0xD;
	[hbm4b:s28+s3] =	stream.linear.scatter [tilespmem:s26], [sflag:$0x1], $0x80, $0x38;
	[tilespmem:$0x1AC80] =	vst v63  }
0xd1: {  	s29 =	sshll.u32 s25, $0xA;
	s30 =	sor.u32 $0x1000, s19;
	s31 =	sadd.s32 $0x630, s10  }
0xd2: {  	[hbm4b:s31+s3] =	stream.linear.scatter [tilespmem:s30], [sflag:$0x1], $0x80, $0x38;
	[tilespmem:$0x1AC80] =	vst v63  }
0xd3: {  	s11 =	sshll.u32 s25, $0x7;
	s14 =	sor.u32 $0x1400, s19;
	s15 =	sadd.s32 $0x6B0, s10  }
0xd4: {  	[hbm4b:s15+s3] =	stream.linear.scatter [tilespmem:s14], [sflag:$0x1], $0x80, $0x38;
	[tilespmem:$0x1AC80] =	vst v63  }
0xd5: {  	s12 =	sand.u32 $0xFFFFE000, s29;
	s16 =	sor.u32 $0x1800, s19;
	s17 =	sadd.s32 $0x730, s10  }
0xd6: {  	[hbm4b:s17+s3] =	stream.linear.scatter [tilespmem:s16], [sflag:$0x1], $0x80, $0x38;
	[tilespmem:$0x1AC80] =	vst v63  }
0xd7: {  	s11 =	sand.u32 $0x380, s11;
	s9 =	sor.u32 $0x1C00, s19;
	s18 =	sadd.s32 $0x7B0, s10  }
0xd8: {  	[hbm4b:s18+s3] =	stream.linear.scatter [tilespmem:s9], [sflag:$0x1], $0x80, $0x38;
	[tilespmem:$0x1AC80] =	vst v63  }
0xd9: {  	s19 =	sor.u32 s11, s12;
	s20 =	sadd.s32 $0x440, s10  }
0xda: {  	[hbm4b:s20+s3] =	stream.linear.scatter [tilespmem:s19], [sflag:$0x1], $0x80, $0x38;
	[tilespmem:$0x1AC80] =	vst v63  }
0xdb: {  	s21 =	sor.u32 $0x400, s19;
	s22 =	sadd.s32 $0x4C0, s10  }
0xdc: {  	[hbm4b:s22+s3] =	stream.linear.scatter [tilespmem:s21], [sflag:$0x1], $0x80, $0x38;
	[tilespmem:$0x1AC80] =	vst v63  }
0xdd: {  	s23 =	sor.u32 $0x800, s19;
	s24 =	sadd.s32 $0x540, s10  }
0xde: {  	[hbm4b:s24+s3] =	stream.linear.scatter [tilespmem:s23], [sflag:$0x1], $0x80, $0x38;
	[tilespmem:$0x1AC80] =	vst v63  }
0xdf: {  	s25 =	spop (v2sf);
	s26 =	sor.u32 $0xC00, s19;
	s28 =	sadd.s32 $0x5C0, s10  }
0xe0: {  	(v2sf) =	vpush v0, $0xE;
	[hbm4b:s28+s3] =	stream.linear.scatter [tilespmem:s26], [sflag:$0x1], $0x80, $0x38;
	[tilespmem:$0x1AC80] =	vst v63  }
0xe1: {  	s29 =	sshll.u32 s25, $0xA;
	s30 =	sor.u32 $0x1000, s19;
	s31 =	sadd.s32 $0x640, s10  }
0xe2: {  	[hbm4b:s31+s3] =	stream.linear.scatter [tilespmem:s30], [sflag:$0x1], $0x80, $0x38;
	[tilespmem:$0x1AC80] =	vst v63  }
0xe3: {  	s11 =	sshll.u32 s25, $0x7;
	s15 =	sor.u32 $0x1400, s19;
	s16 =	sadd.s32 $0x6C0, s10  }
0xe4: {  	[hbm4b:s16+s3] =	stream.linear.scatter [tilespmem:s15], [sflag:$0x1], $0x80, $0x38;
	[tilespmem:$0x1AC80] =	vst v63  }
0xe5: {  	s11 =	sand.u32 $0x380, s11;
	s17 =	sor.u32 $0x1800, s19;
	s18 =	sadd.s32 $0x740, s10  }
0xe6: {  	[hbm4b:s18+s3] =	stream.linear.scatter [tilespmem:s17], [sflag:$0x1], $0x80, $0x38;
	[tilespmem:$0x1AC80] =	vst v63  }
0xe7: {  	s12 =	sand.u32 $0xFFFFE000, s29;
	s9 =	sor.u32 $0x1C00, s19;
	s19 =	sadd.s32 $0x7C0, s10  }
0xe8: {  	[hbm4b:s19+s3] =	stream.linear.scatter [tilespmem:s9], [sflag:$0x1], $0x80, $0x38;
	[tilespmem:$0x1AC80] =	vst v63  }
0xe9: {  	s11 =	sor.u32 s11, s12;
	s20 =	sadd.s32 $0x450, s10  }
0xea: {  	[hbm4b:s20+s3] =	stream.linear.scatter [tilespmem:s11], [sflag:$0x1], $0x80, $0x38;
	[tilespmem:$0x1AC80] =	vst v63  }
0xeb: {  	s21 =	sor.u32 $0x400, s11;
	s22 =	sadd.s32 $0x4D0, s10  }
0xec: {  	[hbm4b:s22+s3] =	stream.linear.scatter [tilespmem:s21], [sflag:$0x1], $0x80, $0x38;
	[tilespmem:$0x1AC80] =	vst v63  }
0xed: {  	s23 =	sor.u32 $0x800, s11;
	s24 =	sadd.s32 $0x550, s10  }
0xee: {  	[hbm4b:s24+s3] =	stream.linear.scatter [tilespmem:s23], [sflag:$0x1], $0x80, $0x38;
	[tilespmem:$0x1AC80] =	vst v63  }
0xef: {  	s25 =	spop (v2sf);
	s26 =	sor.u32 $0xC00, s11;
	s28 =	sadd.s32 $0x5D0, s10  }
0xf0: {  	(v2sf) =	vpush v0, $0xF;
	[hbm4b:s28+s3] =	stream.linear.scatter [tilespmem:s26], [sflag:$0x1], $0x80, $0x38;
	[tilespmem:$0x1AC80] =	vst v63  }
0xf1: {  	s29 =	sshll.u32 s25, $0xA;
	s30 =	sor.u32 $0x1000, s11;
	s31 =	sadd.s32 $0x650, s10  }
0xf2: {  	[hbm4b:s31+s3] =	stream.linear.scatter [tilespmem:s30], [sflag:$0x1], $0x80, $0x38;
	[tilespmem:$0x1AC80] =	vst v63  }
0xf3: {  	s12 =	sand.u32 $0xFFFFE000, s29;
	s15 =	sor.u32 $0x1400, s11;
	s16 =	sadd.s32 $0x6D0, s10  }
0xf4: {  	[hbm4b:s16+s3] =	stream.linear.scatter [tilespmem:s15], [sflag:$0x1], $0x80, $0x38;
	[tilespmem:$0x1AC80] =	vst v63  }
0xf5: {  	s17 =	sor.u32 $0x1800, s11;
	s18 =	sadd.s32 $0x750, s10;
	s9 =	sshll.u32 s25, $0x7  }
0xf6: {  	[hbm4b:s18+s3] =	stream.linear.scatter [tilespmem:s17], [sflag:$0x1], $0x80, $0x38;
	[tilespmem:$0x1AC80] =	vst v63  }
0xf7: {  	s19 =	sadd.s32 $0x7D0, s10;
	s9 =	sand.u32 $0x380, s9;
	s11 =	sor.u32 $0x1C00, s11  }
0xf8: {  	[hbm4b:s19+s3] =	stream.linear.scatter [tilespmem:s11], [sflag:$0x1], $0x80, $0x38;
	[tilespmem:$0x1AC80] =	vst v63  }
0xf9: {  	s20 =	sadd.s32 $0x460, s10;
	s9 =	sor.u32 s9, s12  }
0xfa: {  	[hbm4b:s20+s3] =	stream.linear.scatter [tilespmem:s9], [sflag:$0x1], $0x80, $0x38;
	[tilespmem:$0x1AC80] =	vst v63  }
0xfb: {  	s21 =	sor.u32 $0x400, s9;
	s22 =	sadd.s32 $0x4E0, s10  }
0xfc: {  	[hbm4b:s22+s3] =	stream.linear.scatter [tilespmem:s21], [sflag:$0x1], $0x80, $0x38;
	[tilespmem:$0x1AC80] =	vst v63  }
0xfd: {  	s23 =	sor.u32 $0x800, s9;
	s24 =	sadd.s32 $0x560, s10  }
0xfe: {  	[hbm4b:s24+s3] =	stream.linear.scatter [tilespmem:s23], [sflag:$0x1], $0x80, $0x38;
	[tilespmem:$0x1AC80] =	vst v63  }
0xff: {  	s25 =	spop (v2sf);
	s26 =	sor.u32 $0xC00, s9;
	s28 =	sadd.s32 $0x5E0, s10  }
0x100: {  	[hbm4b:s28+s3] =	stream.linear.scatter [tilespmem:s26], [sflag:$0x1], $0x80, $0x38;
	[tilespmem:$0x1AC80] =	vst v63  }
0x101: {  	s29 =	sshll.u32 s25, $0xA;
	s30 =	sor.u32 $0x1000, s9;
	s31 =	sadd.s32 $0x660, s10  }
0x102: {  	[hbm4b:s31+s3] =	stream.linear.scatter [tilespmem:s30], [sflag:$0x1], $0x80, $0x38;
	[tilespmem:$0x1AC80] =	vst v63  }
0x103: {  	s12 =	sand.u32 $0xFFFFE000, s29;
	s15 =	sor.u32 $0x1400, s9;
	s16 =	sadd.s32 $0x6E0, s10  }
0x104: {  	[hbm4b:s16+s3] =	stream.linear.scatter [tilespmem:s15], [sflag:$0x1], $0x80, $0x38;
	[tilespmem:$0x1AC80] =	vst v63  }
0x105: {  	s17 =	sor.u32 $0x1800, s9;
	s18 =	sadd.s32 $0x760, s10;
	s11 =	sshll.u32 s25, $0x7  }
0x106: {  	[hbm4b:s18+s3] =	stream.linear.scatter [tilespmem:s17], [sflag:$0x1], $0x80, $0x38;
	[tilespmem:$0x1AC80] =	vst v63  }
0x107: {  	s19 =	sadd.s32 $0x7E0, s10;
	s11 =	sand.u32 $0x380, s11;
	s9 =	sor.u32 $0x1C00, s9  }
0x108: {  	[hbm4b:s19+s3] =	stream.linear.scatter [tilespmem:s9], [sflag:$0x1], $0x80, $0x38;
	[tilespmem:$0x1AC80] =	vst v63  }
0x109: {  	s14 =	sadd.s32 $0x770, s10;
	s11 =	sor.u32 s11, s12;
	s20 =	sadd.s32 $0x470, s10  }
0x10a: {  	[hbm4b:s20+s3] =	stream.linear.scatter [tilespmem:s11], [sflag:$0x1], $0x80, $0x38;
	[tilespmem:$0x1AC80] =	vst v63  }
0x10b: {  	s29 =	sadd.s32 $0x670, s10;
	s21 =	sor.u32 $0x400, s11;
	s22 =	sadd.s32 $0x4F0, s10  }
0x10c: {  	[hbm4b:s22+s3] =	stream.linear.scatter [tilespmem:s21], [sflag:$0x1], $0x80, $0x38;
	[tilespmem:$0x1AC80] =	vst v63  }
0x10d: {  	s25 =	sor.u32 $0xC00, s11;
	s23 =	sor.u32 $0x800, s11;
	s24 =	sadd.s32 $0x570, s10  }
0x10e: {  	[hbm4b:s24+s3] =	stream.linear.scatter [tilespmem:s23], [sflag:$0x1], $0x80, $0x38;
	[tilespmem:$0x1AC80] =	vst v63  }
0x10f: {  	s13 =	sor.u32 $0x1800, s11;
	s12 =	sor.u32 $0x1C00, s11;
	s26 =	sadd.s32 $0x5F0, s10  }
0x110: {  	[hbm4b:s26+s3] =	stream.linear.scatter [tilespmem:s25], [sflag:$0x1], $0x80, $0x38;
	[tilespmem:$0x1AC80] =	vst v63  }
0x111: {  	s28 =	sor.u32 $0x1000, s11;
	s30 =	sor.u32 $0x1400, s11;
	s31 =	sadd.s32 $0x6F0, s10  }
0x112: {  	[hbm4b:s29+s3] =	stream.linear.scatter [tilespmem:s28], [sflag:$0x1], $0x80, $0x38;
	[tilespmem:$0x1AC80] =	vst v63  }
0x113: {  	s9 =	simm.s32 $0x800;
	s11 =	sadd.s32 $0x7F0, s10;
	s10 =	simm.s32 $0x1A010  }
0x114: {  	[hbm4b:s31+s3] =	stream.linear.scatter [tilespmem:s30], [sflag:$0x1], $0x80, $0x38;
	[tilespmem:$0x1AC80] =	vst v63  }
.LBB2_2:
0x115: {  	[hbm4b:s14+s3] =	stream.linear.scatter [tilespmem:s13], [sflag:$0x1], $0x80, $0x38;
	[tilespmem:$0x1AC80] =	vst v63  }
0x116: {  	_ = 	snop  }
0x117: {  	[hbm4b:s11+s3] =	stream.linear.scatter [tilespmem:s12], [sflag:$0x1], $0x80, $0x38;
	[tilespmem:$0x1AC80] =	vst v63  }
0x118: {  	v0 =	vld [tilespmem:s10+$0x0];
	_ =	sdelay $0x4  }
0x119: {  	(v2sf) =	vpush v0, $0x0;
	_ =	sdelay $0xa  }
0x11a: {  	(v2sf) =	vpush v0, $0x1;
	_ =	sdelay $0x3  }
0x11b: {  	(v2sf) =	vpush v0, $0x2;
	s18 =	spop (v2sf)  }
0x11c: {  	s16 =	smov.u32 s9;
	s19 =	sshll.u32 s18, $0xA;
	s12 =	sshll.u32 s18, $0x7  }
0x11d: {  	s17 =	rddreg [dreg:$0x4];
	s20 =	sand.u32 $0xFFFFE000, s19;
	s12 =	sand.u32 $0x380, s12  }
0x11e: {  	s11 =	sadd.s32 s16, s17;
	s12 =	sor.u32 s12, s20  }
0x11f: {  	[hbm4b:s11+s3] =	stream.linear.scatter [tilespmem:s12], [sflag:$0x1], $0x80, $0x38;
	[tilespmem:$0x1AC80] =	vst v63  }
0x120: {  	s21 =	sadd.s32 $0x80, s11;
	s16 =	sor.u32 $0x400, s12  }
0x121: {  	[hbm4b:s21+s3] =	stream.linear.scatter [tilespmem:s16], [sflag:$0x1], $0x80, $0x38;
	[tilespmem:$0x1AC80] =	vst v63  }
0x122: {  	s24 =	sadd.s32 $0x180, s11;
	s18 =	sadd.s32 $0x100, s11;
	s17 =	sor.u32 $0x800, s12  }
0x123: {  	[hbm4b:s18+s3] =	stream.linear.scatter [tilespmem:s17], [sflag:$0x1], $0x80, $0x38;
	[tilespmem:$0x1AC80] =	vst v63  }
0x124: {  	s26 =	sadd.s32 $0x200, s11;
	s29 =	sadd.s32 $0x280, s11;
	s23 =	sor.u32 $0xC00, s12  }
0x125: {  	[hbm4b:s24+s3] =	stream.linear.scatter [tilespmem:s23], [sflag:$0x1], $0x80, $0x38;
	[tilespmem:$0x1AC80] =	vst v63  }
0x126: {  	s31 =	sadd.s32 $0x300, s11;
	s15 =	spop (v2sf);
	s25 =	sor.u32 $0x1000, s12  }
0x127: {  	[hbm4b:s26+s3] =	stream.linear.scatter [tilespmem:s25], [sflag:$0x1], $0x80, $0x38;
	[tilespmem:$0x1AC80] =	vst v63  }
0x128: {  	s22 =	sshll.u32 s15, $0xA;
	s15 =	sshll.u32 s15, $0x7;
	s28 =	sor.u32 $0x1400, s12  }
0x129: {  	[hbm4b:s29+s3] =	stream.linear.scatter [tilespmem:s28], [sflag:$0x1], $0x80, $0x38;
	[tilespmem:$0x1AC80] =	vst v63  }
0x12a: {  	s19 =	spop (v2sf);
	s15 =	sand.u32 $0x380, s15;
	s30 =	sor.u32 $0x1800, s12  }
0x12b: {  	(v2sf) =	vpush v0, $0x3;
	[hbm4b:s31+s3] =	stream.linear.scatter [tilespmem:s30], [sflag:$0x1], $0x80, $0x38;
	[tilespmem:$0x1AC80] =	vst v63  }
0x12c: {  	s14 =	sand.u32 $0xFFFFE000, s22;
	s12 =	sor.u32 $0x1C00, s12;
	s21 =	sadd.s32 $0x380, s11  }
0x12d: {  	[hbm4b:s21+s3] =	stream.linear.scatter [tilespmem:s12], [sflag:$0x1], $0x80, $0x38;
	[tilespmem:$0x1AC80] =	vst v63  }
0x12e: {  	s20 =	sshll.u32 s19, $0xA;
	s22 =	sadd.s32 $0x10, s11;
	s14 =	sor.u32 s15, s14  }
0x12f: {  	[hbm4b:s22+s3] =	stream.linear.scatter [tilespmem:s14], [sflag:$0x1], $0x80, $0x38;
	[tilespmem:$0x1AC80] =	vst v63  }
0x130: {  	s17 =	sand.u32 $0xFFFFE000, s20;
	s24 =	sor.u32 $0x400, s14;
	s25 =	sadd.s32 $0x90, s11  }
0x131: {  	[hbm4b:s25+s3] =	stream.linear.scatter [tilespmem:s24], [sflag:$0x1], $0x80, $0x38;
	[tilespmem:$0x1AC80] =	vst v63  }
0x132: {  	s23 =	sshll.u32 s19, $0x7;
	s26 =	sor.u32 $0x800, s14;
	s28 =	sadd.s32 $0x110, s11  }
0x133: {  	(v2sf) =	vpush v0, $0x4;
	[hbm4b:s28+s3] =	stream.linear.scatter [tilespmem:s26], [sflag:$0x1], $0x80, $0x38;
	[tilespmem:$0x1AC80] =	vst v63  }
0x134: {  	s15 =	sand.u32 $0x380, s23;
	s29 =	sor.u32 $0xC00, s14;
	s30 =	sadd.s32 $0x190, s11  }
0x135: {  	[hbm4b:s30+s3] =	stream.linear.scatter [tilespmem:s29], [sflag:$0x1], $0x80, $0x38;
	[tilespmem:$0x1AC80] =	vst v63  }
0x136: {  	s20 =	sor.u32 $0x1000, s14;
	s15 =	sor.u32 s15, s17;
	s21 =	sadd.s32 $0x210, s11  }
0x137: {  	[hbm4b:s21+s3] =	stream.linear.scatter [tilespmem:s20], [sflag:$0x1], $0x80, $0x38;
	[tilespmem:$0x1AC80] =	vst v63  }
0x138: {  	s23 =	sor.u32 $0x1400, s14;
	s18 =	sor.u32 $0x400, s15;
	s24 =	sadd.s32 $0x290, s11  }
0x139: {  	[hbm4b:s24+s3] =	stream.linear.scatter [tilespmem:s23], [sflag:$0x1], $0x80, $0x38;
	[tilespmem:$0x1AC80] =	vst v63  }
0x13a: {  	s31 =	spop (v2sf);
	s25 =	sor.u32 $0x1800, s14;
	s26 =	sadd.s32 $0x310, s11  }
0x13b: {  	[hbm4b:s26+s3] =	stream.linear.scatter [tilespmem:s25], [sflag:$0x1], $0x80, $0x38;
	[tilespmem:$0x1AC80] =	vst v63  }
0x13c: {  	s19 =	sshll.u32 s31, $0x7;
	s28 =	sor.u32 $0x1C00, s14;
	s29 =	sadd.s32 $0x390, s11  }
0x13d: {  	[hbm4b:s29+s3] =	stream.linear.scatter [tilespmem:s28], [sflag:$0x1], $0x80, $0x38;
	[tilespmem:$0x1AC80] =	vst v63  }
0x13e: {  	s22 =	sshll.u32 s31, $0xA;
	s31 =	sadd.s32 $0x20, s11;
	s30 =	sand.u32 $0x380, s19  }
0x13f: {  	(v2sf) =	vpush v0, $0x5;
	[hbm4b:s31+s3] =	stream.linear.scatter [tilespmem:s15], [sflag:$0x1], $0x80, $0x38;
	[tilespmem:$0x1AC80] =	vst v63  }
0x140: {  	s19 =	sadd.s32 $0xA0, s11;
	s20 =	sand.u32 $0xFFFFE000, s22;
	s21 =	sor.u32 $0x800, s15  }
0x141: {  	[hbm4b:s19+s3] =	stream.linear.scatter [tilespmem:s18], [sflag:$0x1], $0x80, $0x38;
	[tilespmem:$0x1AC80] =	vst v63  }
0x142: {  	s22 =	sadd.s32 $0x120, s11;
	s13 =	sor.u32 s30, s20;
	s20 =	spop (v2sf)  }
0x143: {  	[hbm4b:s22+s3] =	stream.linear.scatter [tilespmem:s21], [sflag:$0x1], $0x80, $0x38;
	[tilespmem:$0x1AC80] =	vst v63  }
0x144: {  	s30 =	sadd.s32 $0x2A0, s11;
	s24 =	sor.u32 $0xC00, s15;
	s25 =	sadd.s32 $0x1A0, s11  }
0x145: {  	[hbm4b:s25+s3] =	stream.linear.scatter [tilespmem:s24], [sflag:$0x1], $0x80, $0x38;
	[tilespmem:$0x1AC80] =	vst v63  }
0x146: {  	s23 =	sshll.u32 s20, $0xA;
	s26 =	sor.u32 $0x1000, s15;
	s28 =	sadd.s32 $0x220, s11  }
0x147: {  	[hbm4b:s28+s3] =	stream.linear.scatter [tilespmem:s26], [sflag:$0x1], $0x80, $0x38;
	[tilespmem:$0x1AC80] =	vst v63  }
0x148: {  	s17 =	sshll.u32 s20, $0x7;
	s20 =	sor.u32 $0x1000, s13;
	s29 =	sor.u32 $0x1400, s15  }
0x149: {  	(v2sf) =	vpush v0, $0x6;
	[hbm4b:s30+s3] =	stream.linear.scatter [tilespmem:s29], [sflag:$0x1], $0x80, $0x38;
	[tilespmem:$0x1AC80] =	vst v63  }
0x14a: {  	s31 =	sand.u32 $0x380, s17;
	s17 =	sor.u32 $0x1800, s15;
	s18 =	sadd.s32 $0x320, s11  }
0x14b: {  	[hbm4b:s18+s3] =	stream.linear.scatter [tilespmem:s17], [sflag:$0x1], $0x80, $0x38;
	[tilespmem:$0x1AC80] =	vst v63  }
0x14c: {  	s19 =	sand.u32 $0xFFFFE000, s23;
	s21 =	sor.u32 $0x1C00, s15;
	s22 =	sadd.s32 $0x3A0, s11  }
0x14d: {  	[hbm4b:s22+s3] =	stream.linear.scatter [tilespmem:s21], [sflag:$0x1], $0x80, $0x38;
	[tilespmem:$0x1AC80] =	vst v63  }
0x14e: {  	s23 =	spop (v2sf);
	s12 =	sor.u32 s31, s19;
	s24 =	sadd.s32 $0x30, s11  }
0x14f: {  	[hbm4b:s24+s3] =	stream.linear.scatter [tilespmem:s13], [sflag:$0x1], $0x80, $0x38;
	[tilespmem:$0x1AC80] =	vst v63  }
0x150: {  	s15 =	sor.u32 $0xC00, s13;
	s26 =	sor.u32 $0x400, s13;
	s28 =	sadd.s32 $0xB0, s11  }
0x151: {  	[hbm4b:s28+s3] =	stream.linear.scatter [tilespmem:s26], [sflag:$0x1], $0x80, $0x38;
	[tilespmem:$0x1AC80] =	vst v63  }
0x152: {  	s29 =	sor.u32 $0x800, s13;
	s30 =	sadd.s32 $0x130, s11;
	s18 =	sshll.u32 s23, $0x7  }
0x153: {  	(v2sf) =	vpush v0, $0x7;
	[hbm4b:s30+s3] =	stream.linear.scatter [tilespmem:s29], [sflag:$0x1], $0x80, $0x38;
	[tilespmem:$0x1AC80] =	vst v63  }
0x154: {  	s25 =	sshll.u32 s23, $0xA;
	s31 =	sand.u32 $0x380, s18;
	s18 =	sadd.s32 $0x1B0, s11  }
0x155: {  	[hbm4b:s18+s3] =	stream.linear.scatter [tilespmem:s15], [sflag:$0x1], $0x80, $0x38;
	[tilespmem:$0x1AC80] =	vst v63  }
0x156: {  	s17 =	sand.u32 $0xFFFFE000, s25;
	s23 =	sor.u32 $0x1400, s13;
	s21 =	sadd.s32 $0x230, s11  }
0x157: {  	[hbm4b:s21+s3] =	stream.linear.scatter [tilespmem:s20], [sflag:$0x1], $0x80, $0x38;
	[tilespmem:$0x1AC80] =	vst v63  }
0x158: {  	s16 =	sor.u32 s31, s17;
	s22 =	spop (v2sf);
	s24 =	sadd.s32 $0x2B0, s11  }
0x159: {  	[hbm4b:s24+s3] =	stream.linear.scatter [tilespmem:s23], [sflag:$0x1], $0x80, $0x38;
	[tilespmem:$0x1AC80] =	vst v63  }
0x15a: {  	s25 =	sshll.u32 s22, $0xA;
	s26 =	sor.u32 $0x1800, s13;
	s28 =	sadd.s32 $0x330, s11  }
0x15b: {  	[hbm4b:s28+s3] =	stream.linear.scatter [tilespmem:s26], [sflag:$0x1], $0x80, $0x38;
	[tilespmem:$0x1AC80] =	vst v63  }
0x15c: {  	s19 =	sshll.u32 s22, $0x7;
	s13 =	sor.u32 $0x1C00, s13;
	s29 =	sadd.s32 $0x3B0, s11  }
0x15d: {  	[hbm4b:s29+s3] =	stream.linear.scatter [tilespmem:s13], [sflag:$0x1], $0x80, $0x38;
	[tilespmem:$0x1AC80] =	vst v63  }
0x15e: {  	s31 =	sadd.s32 $0x40, s11;
	s19 =	sand.u32 $0x380, s19;
	s30 =	sand.u32 $0xFFFFE000, s25  }
0x15f: {  	(v2sf) =	vpush v0, $0x8;
	[hbm4b:s31+s3] =	stream.linear.scatter [tilespmem:s12], [sflag:$0x1], $0x80, $0x38;
	[tilespmem:$0x1AC80] =	vst v63  }
0x160: {  	s22 =	sadd.s32 $0xC0, s11;
	s15 =	sor.u32 s19, s30;
	s21 =	sor.u32 $0x400, s12  }
0x161: {  	[hbm4b:s22+s3] =	stream.linear.scatter [tilespmem:s21], [sflag:$0x1], $0x80, $0x38;
	[tilespmem:$0x1AC80] =	vst v63  }
0x162: {  	s20 =	spop (v2sf);
	s23 =	sor.u32 $0x800, s12;
	s24 =	sadd.s32 $0x140, s11  }
0x163: {  	(v2sf) =	vpush v0, $0x9;
	[hbm4b:s24+s3] =	stream.linear.scatter [tilespmem:s23], [sflag:$0x1], $0x80, $0x38;
	[tilespmem:$0x1AC80] =	vst v63  }
0x164: {  	s30 =	sadd.s32 $0x240, s11;
	s26 =	sor.u32 $0xC00, s12;
	s28 =	sadd.s32 $0x1C0, s11  }
0x165: {  	[hbm4b:s28+s3] =	stream.linear.scatter [tilespmem:s26], [sflag:$0x1], $0x80, $0x38;
	[tilespmem:$0x1AC80] =	vst v63  }
0x166: {  	s18 =	sor.u32 $0x800, s16;
	s25 =	sshll.u32 s20, $0xA;
	s29 =	sor.u32 $0x1000, s12  }
0x167: {  	[hbm4b:s30+s3] =	stream.linear.scatter [tilespmem:s29], [sflag:$0x1], $0x80, $0x38;
	[tilespmem:$0x1AC80] =	vst v63  }
0x168: {  	s19 =	sshll.u32 s20, $0x7;
	s31 =	sor.u32 $0x1400, s12;
	s21 =	sadd.s32 $0x2C0, s11  }
0x169: {  	[hbm4b:s21+s3] =	stream.linear.scatter [tilespmem:s31], [sflag:$0x1], $0x80, $0x38;
	[tilespmem:$0x1AC80] =	vst v63  }
0x16a: {  	s20 =	sand.u32 $0xFFFFE000, s25;
	s23 =	sor.u32 $0x1800, s12;
	s24 =	sadd.s32 $0x340, s11  }
0x16b: {  	(v2sf) =	vpush v0, $0xA;
	[hbm4b:s24+s3] =	stream.linear.scatter [tilespmem:s23], [sflag:$0x1], $0x80, $0x38;
	[tilespmem:$0x1AC80] =	vst v63  }
0x16c: {  	s25 =	sadd.s32 $0x3C0, s11;
	s22 =	sand.u32 $0x380, s19;
	s12 =	sor.u32 $0x1C00, s12  }
0x16d: {  	[hbm4b:s25+s3] =	stream.linear.scatter [tilespmem:s12], [sflag:$0x1], $0x80, $0x38;
	[tilespmem:$0x1AC80] =	vst v63  }
0x16e: {  	s13 =	sor.u32 s22, s20;
	s26 =	spop (v2sf);
	s28 =	sadd.s32 $0x50, s11  }
0x16f: {  	[hbm4b:s28+s3] =	stream.linear.scatter [tilespmem:s16], [sflag:$0x1], $0x80, $0x38;
	[tilespmem:$0x1AC80] =	vst v63  }
0x170: {  	s19 =	sshll.u32 s26, $0x7;
	s30 =	sor.u32 $0x400, s16;
	s31 =	sadd.s32 $0xD0, s11  }
0x171: {  	[hbm4b:s31+s3] =	stream.linear.scatter [tilespmem:s30], [sflag:$0x1], $0x80, $0x38;
	[tilespmem:$0x1AC80] =	vst v63  }
0x172: {  	s22 =	spop (v2sf);
	s29 =	sshll.u32 s26, $0xA;
	s21 =	sadd.s32 $0x150, s11  }
0x173: {  	[hbm4b:s21+s3] =	stream.linear.scatter [tilespmem:s18], [sflag:$0x1], $0x80, $0x38;
	[tilespmem:$0x1AC80] =	vst v63  }
0x174: {  	s26 =	sadd.s32 $0x250, s11;
	s23 =	sor.u32 $0xC00, s16;
	s24 =	sadd.s32 $0x1D0, s11  }
0x175: {  	[hbm4b:s24+s3] =	stream.linear.scatter [tilespmem:s23], [sflag:$0x1], $0x80, $0x38;
	[tilespmem:$0x1AC80] =	vst v63  }
0x176: {  	s20 =	sshll.u32 s22, $0x7;
	s14 =	sand.u32 $0xFFFFE000, s29;
	s25 =	sor.u32 $0x1000, s16  }
0x177: {  	(v2sf) =	vpush v0, $0xB;
	[hbm4b:s26+s3] =	stream.linear.scatter [tilespmem:s25], [sflag:$0x1], $0x80, $0x38;
	[tilespmem:$0x1AC80] =	vst v63  }
0x178: {  	s29 =	sor.u32 $0x1800, s16;
	s28 =	sor.u32 $0x1400, s16;
	s23 =	sadd.s32 $0x2D0, s11  }
0x179: {  	[hbm4b:s23+s3] =	stream.linear.scatter [tilespmem:s28], [sflag:$0x1], $0x80, $0x38;
	[tilespmem:$0x1AC80] =	vst v63  }
0x17a: {  	s12 =	sshll.u32 s22, $0xA;
	s30 =	sadd.s32 $0x350, s11;
	s31 =	spop (v2sf)  }
0x17b: {  	[hbm4b:s30+s3] =	stream.linear.scatter [tilespmem:s29], [sflag:$0x1], $0x80, $0x38;
	[tilespmem:$0x1AC80] =	vst v63  }
0x17c: {  	s16 =	sor.u32 $0x1C00, s16;
	s22 =	sshll.u32 s31, $0x7;
	s24 =	sadd.s32 $0x3D0, s11  }
0x17d: {  	(v2sf) =	vpush v0, $0xC;
	[hbm4b:s24+s3] =	stream.linear.scatter [tilespmem:s16], [sflag:$0x1], $0x80, $0x38;
	[tilespmem:$0x1AC80] =	vst v63  }
0x17e: {  	s19 =	sand.u32 $0x380, s19;
	s22 =	sand.u32 $0x380, s22;
	s26 =	sadd.s32 $0x60, s11  }
0x17f: {  	[hbm4b:s26+s3] =	stream.linear.scatter [tilespmem:s15], [sflag:$0x1], $0x80, $0x38;
	[tilespmem:$0x1AC80] =	vst v63  }
0x180: {  	s18 =	sor.u32 $0xC00, s15;
	s29 =	sor.u32 $0x400, s15;
	s30 =	sadd.s32 $0xE0, s11  }
0x181: {  	[hbm4b:s30+s3] =	stream.linear.scatter [tilespmem:s29], [sflag:$0x1], $0x80, $0x38;
	[tilespmem:$0x1AC80] =	vst v63  }
0x182: {  	s25 =	sshll.u32 s31, $0xA;
	s31 =	sor.u32 $0x800, s15;
	s24 =	sadd.s32 $0x160, s11  }
0x183: {  	[hbm4b:s24+s3] =	stream.linear.scatter [tilespmem:s31], [sflag:$0x1], $0x80, $0x38;
	[tilespmem:$0x1AC80] =	vst v63  }
0x184: {  	s21 =	sadd.s32 $0x1E0, s11;
	s28 =	sand.u32 $0xFFFFE000, s25;
	s25 =	sadd.s32 $0x260, s11  }
0x185: {  	[hbm4b:s21+s3] =	stream.linear.scatter [tilespmem:s18], [sflag:$0x1], $0x80, $0x38;
	[tilespmem:$0x1AC80] =	vst v63  }
0x186: {  	s17 =	sor.u32 s22, s28;
	s22 =	spop (v2sf);
	s24 =	sor.u32 $0x1000, s15  }
0x187: {  	[hbm4b:s25+s3] =	stream.linear.scatter [tilespmem:s24], [sflag:$0x1], $0x80, $0x38;
	[tilespmem:$0x1AC80] =	vst v63  }
0x188: {  	s28 =	sor.u32 $0x1400, s15;
	s26 =	sshll.u32 s22, $0xA;
	s29 =	sadd.s32 $0x2E0, s11  }
0x189: {  	[hbm4b:s29+s3] =	stream.linear.scatter [tilespmem:s28], [sflag:$0x1], $0x80, $0x38;
	[tilespmem:$0x1AC80] =	vst v63  }
0x18a: {  	s30 =	sor.u32 $0x1800, s15;
	s31 =	sadd.s32 $0x360, s11;
	s15 =	sor.u32 $0x1C00, s15  }
0x18b: {  	[hbm4b:s31+s3] =	stream.linear.scatter [tilespmem:s30], [sflag:$0x1], $0x80, $0x38;
	[tilespmem:$0x1AC80] =	vst v63  }
0x18c: {  	s21 =	sshll.u32 s22, $0x7;
	s22 =	spop (v2sf);
	s25 =	sadd.s32 $0x3E0, s11  }
0x18d: {  	[hbm4b:s25+s3] =	stream.linear.scatter [tilespmem:s15], [sflag:$0x1], $0x80, $0x38;
	[tilespmem:$0x1AC80] =	vst v63  }
0x18e: {  	s24 =	sand.u32 $0xFFFFE000, s26;
	s26 =	sand.u32 $0x380, s21;
	s28 =	sadd.s32 $0x70, s11  }
0x18f: {  	[hbm4b:s28+s3] =	stream.linear.scatter [tilespmem:s13], [sflag:$0x1], $0x80, $0x38;
	[tilespmem:$0x1AC80] =	vst v63  }
0x190: {  	s16 =	sor.u32 s26, s24;
	s29 =	sor.u32 $0x400, s13;
	s30 =	sadd.s32 $0xF0, s11  }
0x191: {  	(v2sf) =	vpush v0, $0xD;
	[hbm4b:s30+s3] =	stream.linear.scatter [tilespmem:s29], [sflag:$0x1], $0x80, $0x38;
	[tilespmem:$0x1AC80] =	vst v63  }
0x192: {  	s24 =	sor.u32 $0x800, s13;
	s26 =	sor.u32 $0xC00, s13;
	s25 =	sadd.s32 $0x170, s11  }
0x193: {  	(v2sf) =	vpush v0, $0xE;
	[hbm4b:s25+s3] =	stream.linear.scatter [tilespmem:s24], [sflag:$0x1], $0x80, $0x38;
	[tilespmem:$0x1AC80] =	vst v63  }
0x194: {  	s31 =	sshll.u32 s22, $0xA;
	s22 =	sshll.u32 s22, $0x7;
	s28 =	sadd.s32 $0x1F0, s11  }
0x195: {  	[hbm4b:s28+s3] =	stream.linear.scatter [tilespmem:s26], [sflag:$0x1], $0x80, $0x38;
	[tilespmem:$0x1AC80] =	vst v63  }
0x196: {  	s23 =	sand.u32 $0xFFFFE000, s31;
	s29 =	sor.u32 $0x1000, s13;
	s30 =	sadd.s32 $0x270, s11  }
0x197: {  	[hbm4b:s30+s3] =	stream.linear.scatter [tilespmem:s29], [sflag:$0x1], $0x80, $0x38;
	[tilespmem:$0x1AC80] =	vst v63  }
0x198: {  	s22 =	sand.u32 $0x380, s22;
	s31 =	sor.u32 $0x1400, s13;
	s25 =	sadd.s32 $0x2F0, s11  }
0x199: {  	[hbm4b:s25+s3] =	stream.linear.scatter [tilespmem:s31], [sflag:$0x1], $0x80, $0x38;
	[tilespmem:$0x1AC80] =	vst v63  }
0x19a: {  	s15 =	sor.u32 s22, s23;
	s22 =	sor.u32 $0x1800, s13;
	s23 =	sadd.s32 $0x370, s11  }
0x19b: {  	[hbm4b:s23+s3] =	stream.linear.scatter [tilespmem:s22], [sflag:$0x1], $0x80, $0x38;
	[tilespmem:$0x1AC80] =	vst v63  }
0x19c: {  	s20 =	sand.u32 $0x380, s20;
	s13 =	sor.u32 $0x1C00, s13;
	s25 =	sadd.s32 $0x3F0, s11  }
0x19d: {  	(v2sf) =	vpush v0, $0xF;
	[hbm4b:s25+s3] =	stream.linear.scatter [tilespmem:s13], [sflag:$0x1], $0x80, $0x38;
	[tilespmem:$0x1AC80] =	vst v63  }
0x19e: {  	s12 =	sand.u32 $0xFFFFE000, s12;
	s26 =	sadd.s32 $0x400, s11;
	s22 =	sor.u32 s19, s14  }
0x19f: {  	[hbm4b:s26+s3] =	stream.linear.scatter [tilespmem:s22], [sflag:$0x1], $0x80, $0x38;
	[tilespmem:$0x1AC80] =	vst v63  }
0x1a0: {  	s24 =	spop (v2sf);
	s28 =	sadd.s32 $0x480, s11;
	s14 =	sor.u32 $0x400, s22  }
0x1a1: {  	[hbm4b:s28+s3] =	stream.linear.scatter [tilespmem:s14], [sflag:$0x1], $0x80, $0x38;
	[tilespmem:$0x1AC80] =	vst v63  }
0x1a2: {  	s29 =	spop (v2sf);
	s31 =	sadd.s32 $0x500, s11;
	s30 =	sor.u32 $0x800, s22  }
0x1a3: {  	[hbm4b:s31+s3] =	stream.linear.scatter [tilespmem:s30], [sflag:$0x1], $0x80, $0x38;
	[tilespmem:$0x1AC80] =	vst v63  }
0x1a4: {  	s13 =	sshll.u32 s29, $0xA;
	s26 =	sadd.s32 $0x580, s11;
	s28 =	sor.u32 $0xC00, s22  }
0x1a5: {  	[hbm4b:s26+s3] =	stream.linear.scatter [tilespmem:s28], [sflag:$0x1], $0x80, $0x38;
	[tilespmem:$0x1AC80] =	vst v63  }
0x1a6: {  	s14 =	sshll.u32 s29, $0x7;
	s29 =	sor.u32 $0x1000, s22;
	s30 =	sadd.s32 $0x600, s11  }
0x1a7: {  	[hbm4b:s30+s3] =	stream.linear.scatter [tilespmem:s29], [sflag:$0x1], $0x80, $0x38;
	[tilespmem:$0x1AC80] =	vst v63  }
0x1a8: {  	s20 =	sor.u32 s20, s12;
	s31 =	sadd.s32 $0x680, s11;
	s26 =	sor.u32 $0x1400, s22  }
0x1a9: {  	[hbm4b:s31+s3] =	stream.linear.scatter [tilespmem:s26], [sflag:$0x1], $0x80, $0x38;
	[tilespmem:$0x1AC80] =	vst v63  }
0x1aa: {  	s18 =	sshll.u32 s24, $0xA;
	s29 =	sor.u32 $0x1800, s22;
	s30 =	sadd.s32 $0x700, s11  }
0x1ab: {  	[hbm4b:s30+s3] =	stream.linear.scatter [tilespmem:s29], [sflag:$0x1], $0x80, $0x38;
	[tilespmem:$0x1AC80] =	vst v63  }
0x1ac: {  	s25 =	spop (v2sf);
	s22 =	sor.u32 $0x1C00, s22;
	s31 =	sadd.s32 $0x780, s11  }
0x1ad: {  	[hbm4b:s31+s3] =	stream.linear.scatter [tilespmem:s22], [sflag:$0x1], $0x80, $0x38;
	[tilespmem:$0x1AC80] =	vst v63  }
0x1ae: {  	s19 =	sshll.u32 s24, $0x7;
	s24 =	sadd.s32 $0x410, s11;
	s28 =	sshll.u32 s25, $0xA  }
0x1af: {  	[hbm4b:s24+s3] =	stream.linear.scatter [tilespmem:s20], [sflag:$0x1], $0x80, $0x38;
	[tilespmem:$0x1AC80] =	vst v63  }
0x1b0: {  	s12 =	sand.u32 $0xFFFFE000, s28;
	s28 =	sadd.s32 $0x490, s11;
	s26 =	sor.u32 $0x400, s20  }
0x1b1: {  	[hbm4b:s28+s3] =	stream.linear.scatter [tilespmem:s26], [sflag:$0x1], $0x80, $0x38;
	[tilespmem:$0x1AC80] =	vst v63  }
0x1b2: {  	s30 =	sor.u32 $0x800, s20;
	s31 =	sadd.s32 $0x510, s11  }
0x1b3: {  	[hbm4b:s31+s3] =	stream.linear.scatter [tilespmem:s30], [sflag:$0x1], $0x80, $0x38;
	[tilespmem:$0x1AC80] =	vst v63  }
0x1b4: {  	s23 =	sor.u32 $0xC00, s20;
	s29 =	sshll.u32 s25, $0x7;
	s26 =	sadd.s32 $0x590, s11  }
0x1b5: {  	[hbm4b:s26+s3] =	stream.linear.scatter [tilespmem:s23], [sflag:$0x1], $0x80, $0x38;
	[tilespmem:$0x1AC80] =	vst v63  }
0x1b6: {  	s24 =	sand.u32 $0x380, s29;
	s29 =	sadd.s32 $0x610, s11;
	s28 =	sor.u32 $0x1000, s20  }
0x1b7: {  	[hbm4b:s29+s3] =	stream.linear.scatter [tilespmem:s28], [sflag:$0x1], $0x80, $0x38;
	[tilespmem:$0x1AC80] =	vst v63  }
0x1b8: {  	s30 =	sor.u32 $0x1400, s20;
	s31 =	sadd.s32 $0x690, s11  }
0x1b9: {  	[hbm4b:s31+s3] =	stream.linear.scatter [tilespmem:s30], [sflag:$0x1], $0x80, $0x38;
	[tilespmem:$0x1AC80] =	vst v63  }
0x1ba: {  	s25 =	sor.u32 $0x1800, s20;
	s26 =	sadd.s32 $0x710, s11  }
0x1bb: {  	[hbm4b:s26+s3] =	stream.linear.scatter [tilespmem:s25], [sflag:$0x1], $0x80, $0x38;
	[tilespmem:$0x1AC80] =	vst v63  }
0x1bc: {  	s20 =	sor.u32 $0x1C00, s20;
	s28 =	sadd.s32 $0x790, s11  }
0x1bd: {  	[hbm4b:s28+s3] =	stream.linear.scatter [tilespmem:s20], [sflag:$0x1], $0x80, $0x38;
	[tilespmem:$0x1AC80] =	vst v63  }
0x1be: {  	s29 =	sadd.s32 $0x420, s11  }
0x1bf: {  	[hbm4b:s29+s3] =	stream.linear.scatter [tilespmem:s17], [sflag:$0x1], $0x80, $0x38;
	[tilespmem:$0x1AC80] =	vst v63  }
0x1c0: {  	s30 =	sor.u32 $0x400, s17;
	s31 =	sadd.s32 $0x4A0, s11  }
0x1c1: {  	[hbm4b:s31+s3] =	stream.linear.scatter [tilespmem:s30], [sflag:$0x1], $0x80, $0x38;
	[tilespmem:$0x1AC80] =	vst v63  }
0x1c2: {  	s12 =	sor.u32 s24, s12;
	s24 =	sadd.s32 $0x520, s11;
	s23 =	sor.u32 $0x800, s17  }
0x1c3: {  	[hbm4b:s24+s3] =	stream.linear.scatter [tilespmem:s23], [sflag:$0x1], $0x80, $0x38;
	[tilespmem:$0x1AC80] =	vst v63  }
0x1c4: {  	s25 =	sor.u32 $0xC00, s17;
	s26 =	sadd.s32 $0x5A0, s11  }
0x1c5: {  	[hbm4b:s26+s3] =	stream.linear.scatter [tilespmem:s25], [sflag:$0x1], $0x80, $0x38;
	[tilespmem:$0x1AC80] =	vst v63  }
0x1c6: {  	s28 =	sor.u32 $0x1000, s17;
	s29 =	sadd.s32 $0x620, s11  }
0x1c7: {  	[hbm4b:s29+s3] =	stream.linear.scatter [tilespmem:s28], [sflag:$0x1], $0x80, $0x38;
	[tilespmem:$0x1AC80] =	vst v63  }
0x1c8: {  	s30 =	sor.u32 $0x1400, s17;
	s31 =	sadd.s32 $0x6A0, s11  }
0x1c9: {  	[hbm4b:s31+s3] =	stream.linear.scatter [tilespmem:s30], [sflag:$0x1], $0x80, $0x38;
	[tilespmem:$0x1AC80] =	vst v63  }
0x1ca: {  	s23 =	sor.u32 $0x1800, s17;
	s24 =	sadd.s32 $0x720, s11  }
0x1cb: {  	[hbm4b:s24+s3] =	stream.linear.scatter [tilespmem:s23], [sflag:$0x1], $0x80, $0x38;
	[tilespmem:$0x1AC80] =	vst v63  }
0x1cc: {  	s17 =	sor.u32 $0x1C00, s17;
	s25 =	sadd.s32 $0x7A0, s11  }
0x1cd: {  	[hbm4b:s25+s3] =	stream.linear.scatter [tilespmem:s17], [sflag:$0x1], $0x80, $0x38;
	[tilespmem:$0x1AC80] =	vst v63  }
0x1ce: {  	s26 =	sadd.s32 $0x430, s11  }
0x1cf: {  	[hbm4b:s26+s3] =	stream.linear.scatter [tilespmem:s16], [sflag:$0x1], $0x80, $0x38;
	[tilespmem:$0x1AC80] =	vst v63  }
0x1d0: {  	s28 =	sor.u32 $0x400, s16;
	s29 =	sadd.s32 $0x4B0, s11  }
0x1d1: {  	[hbm4b:s29+s3] =	stream.linear.scatter [tilespmem:s28], [sflag:$0x1], $0x80, $0x38;
	[tilespmem:$0x1AC80] =	vst v63  }
0x1d2: {  	s30 =	sor.u32 $0x800, s16;
	s31 =	sadd.s32 $0x530, s11  }
0x1d3: {  	[hbm4b:s31+s3] =	stream.linear.scatter [tilespmem:s30], [sflag:$0x1], $0x80, $0x38;
	[tilespmem:$0x1AC80] =	vst v63  }
0x1d4: {  	s23 =	sor.u32 $0xC00, s16;
	s24 =	sadd.s32 $0x5B0, s11  }
0x1d5: {  	[hbm4b:s24+s3] =	stream.linear.scatter [tilespmem:s23], [sflag:$0x1], $0x80, $0x38;
	[tilespmem:$0x1AC80] =	vst v63  }
0x1d6: {  	s25 =	sor.u32 $0x1000, s16;
	s26 =	sadd.s32 $0x630, s11  }
0x1d7: {  	[hbm4b:s26+s3] =	stream.linear.scatter [tilespmem:s25], [sflag:$0x1], $0x80, $0x38;
	[tilespmem:$0x1AC80] =	vst v63  }
0x1d8: {  	s28 =	sor.u32 $0x1400, s16;
	s29 =	sadd.s32 $0x6B0, s11  }
0x1d9: {  	[hbm4b:s29+s3] =	stream.linear.scatter [tilespmem:s28], [sflag:$0x1], $0x80, $0x38;
	[tilespmem:$0x1AC80] =	vst v63  }
0x1da: {  	s30 =	sor.u32 $0x1800, s16;
	s31 =	sadd.s32 $0x730, s11  }
0x1db: {  	[hbm4b:s31+s3] =	stream.linear.scatter [tilespmem:s30], [sflag:$0x1], $0x80, $0x38;
	[tilespmem:$0x1AC80] =	vst v63  }
0x1dc: {  	s16 =	sor.u32 $0x1C00, s16;
	s23 =	sadd.s32 $0x7B0, s11  }
0x1dd: {  	[hbm4b:s23+s3] =	stream.linear.scatter [tilespmem:s16], [sflag:$0x1], $0x80, $0x38;
	[tilespmem:$0x1AC80] =	vst v63  }
0x1de: {  	s24 =	sadd.s32 $0x440, s11  }
0x1df: {  	[hbm4b:s24+s3] =	stream.linear.scatter [tilespmem:s15], [sflag:$0x1], $0x80, $0x38;
	[tilespmem:$0x1AC80] =	vst v63  }
0x1e0: {  	s25 =	sor.u32 $0x400, s15;
	s26 =	sadd.s32 $0x4C0, s11  }
0x1e1: {  	[hbm4b:s26+s3] =	stream.linear.scatter [tilespmem:s25], [sflag:$0x1], $0x80, $0x38;
	[tilespmem:$0x1AC80] =	vst v63  }
0x1e2: {  	s28 =	sor.u32 $0x800, s15;
	s29 =	sadd.s32 $0x540, s11  }
0x1e3: {  	[hbm4b:s29+s3] =	stream.linear.scatter [tilespmem:s28], [sflag:$0x1], $0x80, $0x38;
	[tilespmem:$0x1AC80] =	vst v63  }
0x1e4: {  	s30 =	sor.u32 $0xC00, s15;
	s31 =	sadd.s32 $0x5C0, s11  }
0x1e5: {  	[hbm4b:s31+s3] =	stream.linear.scatter [tilespmem:s30], [sflag:$0x1], $0x80, $0x38;
	[tilespmem:$0x1AC80] =	vst v63  }
0x1e6: {  	s22 =	sor.u32 $0x1000, s15;
	s23 =	sadd.s32 $0x640, s11  }
0x1e7: {  	[hbm4b:s23+s3] =	stream.linear.scatter [tilespmem:s22], [sflag:$0x1], $0x80, $0x38;
	[tilespmem:$0x1AC80] =	vst v63  }
0x1e8: {  	s24 =	sor.u32 $0x1400, s15;
	s25 =	sadd.s32 $0x6C0, s11  }
0x1e9: {  	[hbm4b:s25+s3] =	stream.linear.scatter [tilespmem:s24], [sflag:$0x1], $0x80, $0x38;
	[tilespmem:$0x1AC80] =	vst v63  }
0x1ea: {  	s19 =	sand.u32 $0x380, s19;
	s26 =	sor.u32 $0x1800, s15;
	s28 =	sadd.s32 $0x740, s11  }
0x1eb: {  	[hbm4b:s28+s3] =	stream.linear.scatter [tilespmem:s26], [sflag:$0x1], $0x80, $0x38;
	[tilespmem:$0x1AC80] =	vst v63  }
0x1ec: {  	s15 =	sor.u32 $0x1C00, s15;
	s29 =	sadd.s32 $0x7C0, s11;
	s30 =	sand.u32 $0xFFFFE000, s18  }
0x1ed: {  	[hbm4b:s29+s3] =	stream.linear.scatter [tilespmem:s15], [sflag:$0x1], $0x80, $0x38;
	[tilespmem:$0x1AC80] =	vst v63  }
0x1ee: {  	s31 =	sadd.s32 $0x450, s11;
	s17 =	sor.u32 s19, s30  }
0x1ef: {  	[hbm4b:s31+s3] =	stream.linear.scatter [tilespmem:s17], [sflag:$0x1], $0x80, $0x38;
	[tilespmem:$0x1AC80] =	vst v63  }
0x1f0: {  	s20 =	sadd.s32 $0x4D0, s11;
	s19 =	sor.u32 $0x400, s17  }
0x1f1: {  	[hbm4b:s20+s3] =	stream.linear.scatter [tilespmem:s19], [sflag:$0x1], $0x80, $0x38;
	[tilespmem:$0x1AC80] =	vst v63  }
0x1f2: {  	s21 =	sor.u32 $0x800, s17;
	s22 =	sadd.s32 $0x550, s11  }
0x1f3: {  	[hbm4b:s22+s3] =	stream.linear.scatter [tilespmem:s21], [sflag:$0x1], $0x80, $0x38;
	[tilespmem:$0x1AC80] =	vst v63  }
0x1f4: {  	s23 =	sor.u32 $0xC00, s17;
	s24 =	sadd.s32 $0x5D0, s11  }
0x1f5: {  	[hbm4b:s24+s3] =	stream.linear.scatter [tilespmem:s23], [sflag:$0x1], $0x80, $0x38;
	[tilespmem:$0x1AC80] =	vst v63  }
0x1f6: {  	s25 =	sor.u32 $0x1000, s17;
	s26 =	sadd.s32 $0x650, s11  }
0x1f7: {  	[hbm4b:s26+s3] =	stream.linear.scatter [tilespmem:s25], [sflag:$0x1], $0x80, $0x38;
	[tilespmem:$0x1AC80] =	vst v63  }
0x1f8: {  	s28 =	sor.u32 $0x1400, s17;
	s29 =	sadd.s32 $0x6D0, s11  }
0x1f9: {  	[hbm4b:s29+s3] =	stream.linear.scatter [tilespmem:s28], [sflag:$0x1], $0x80, $0x38;
	[tilespmem:$0x1AC80] =	vst v63  }
0x1fa: {  	s13 =	sand.u32 $0xFFFFE000, s13;
	s30 =	sor.u32 $0x1800, s17;
	s31 =	sadd.s32 $0x750, s11  }
0x1fb: {  	[hbm4b:s31+s3] =	stream.linear.scatter [tilespmem:s30], [sflag:$0x1], $0x80, $0x38;
	[tilespmem:$0x1AC80] =	vst v63  }
0x1fc: {  	s14 =	sand.u32 $0x380, s14;
	s17 =	sor.u32 $0x1C00, s17;
	s20 =	sadd.s32 $0x7D0, s11  }
0x1fd: {  	[hbm4b:s20+s3] =	stream.linear.scatter [tilespmem:s17], [sflag:$0x1], $0x80, $0x38;
	[tilespmem:$0x1AC80] =	vst v63  }
0x1fe: {  	s13 =	sor.u32 s14, s13;
	s21 =	sadd.s32 $0x460, s11  }
0x1ff: {  	[hbm4b:s21+s3] =	stream.linear.scatter [tilespmem:s13], [sflag:$0x1], $0x80, $0x38;
	[tilespmem:$0x1AC80] =	vst v63  }
0x200: {  	s14 =	sor.u32 $0x400, s13;
	s22 =	sadd.s32 $0x4E0, s11  }
0x201: {  	[hbm4b:s22+s3] =	stream.linear.scatter [tilespmem:s14], [sflag:$0x1], $0x80, $0x38;
	[tilespmem:$0x1AC80] =	vst v63  }
0x202: {  	s23 =	sor.u32 $0x800, s13;
	s24 =	sadd.s32 $0x560, s11  }
0x203: {  	[hbm4b:s24+s3] =	stream.linear.scatter [tilespmem:s23], [sflag:$0x1], $0x80, $0x38;
	[tilespmem:$0x1AC80] =	vst v63  }
0x204: {  	s25 =	sor.u32 $0xC00, s13;
	s26 =	sadd.s32 $0x5E0, s11  }
0x205: {  	[hbm4b:s26+s3] =	stream.linear.scatter [tilespmem:s25], [sflag:$0x1], $0x80, $0x38;
	[tilespmem:$0x1AC80] =	vst v63  }
0x206: {  	s28 =	sor.u32 $0x1000, s13;
	s29 =	sadd.s32 $0x660, s11  }
0x207: {  	[hbm4b:s29+s3] =	stream.linear.scatter [tilespmem:s28], [sflag:$0x1], $0x80, $0x38;
	[tilespmem:$0x1AC80] =	vst v63  }
0x208: {  	s30 =	sor.u32 $0x1400, s13;
	s31 =	sadd.s32 $0x6E0, s11  }
0x209: {  	[hbm4b:s31+s3] =	stream.linear.scatter [tilespmem:s30], [sflag:$0x1], $0x80, $0x38;
	[tilespmem:$0x1AC80] =	vst v63  }
0x20a: {  	s18 =	sadd.s32 $0x760, s11;
	s17 =	sor.u32 $0x1800, s13  }
0x20b: {  	[hbm4b:s18+s3] =	stream.linear.scatter [tilespmem:s17], [sflag:$0x1], $0x80, $0x38;
	[tilespmem:$0x1AC80] =	vst v63  }
0x20c: {  	s19 =	sadd.s32 $0x7E0, s11;
	s13 =	sor.u32 $0x1C00, s13  }
0x20d: {  	[hbm4b:s19+s3] =	stream.linear.scatter [tilespmem:s13], [sflag:$0x1], $0x80, $0x38;
	[tilespmem:$0x1AC80] =	vst v63  }
0x20e: {  	s20 =	sadd.s32 $0x470, s11  }
0x20f: {  	[hbm4b:s20+s3] =	stream.linear.scatter [tilespmem:s12], [sflag:$0x1], $0x80, $0x38;
	[tilespmem:$0x1AC80] =	vst v63  }
0x210: {  	p0 =	sne.s32 s9, $0x63800;
	s21 =	sor.u32 $0x400, s12;
	s22 =	sadd.s32 $0x4F0, s11  }
0x211: {  	[hbm4b:s22+s3] =	stream.linear.scatter [tilespmem:s21], [sflag:$0x1], $0x80, $0x38;
	[tilespmem:$0x1AC80] =	vst v63  }
0x212: {  	s9 =	sadd.s32 $0x800, s9;
	s23 =	sor.u32 $0x800, s12;
	s24 =	sadd.s32 $0x570, s11  }
0x213: {  	[hbm4b:s24+s3] =	stream.linear.scatter [tilespmem:s23], [sflag:$0x1], $0x80, $0x38;
	[tilespmem:$0x1AC80] =	vst v63  }
0x214: {  	s10 =	sadd.s32 $0x10, s10;
	s25 =	sor.u32 $0xC00, s12;
	s26 =	sadd.s32 $0x5F0, s11  }
0x215: {  	[hbm4b:s26+s3] =	stream.linear.scatter [tilespmem:s25], [sflag:$0x1], $0x80, $0x38;
	[tilespmem:$0x1AC80] =	vst v63  }
.Ltmp0:
0x216: {  	s14 =	sadd.s32 $0x770, s11;
	s28 =	sor.u32 $0x1000, s12;
	(pc) =	sbr.rel @p0 .LBB2_2-.Ltmp0, $4  }
0x217: {  	s29 =	sadd.s32 $0x670, s11;
	s30 =	sor.u32 $0x1400, s12;
	s31 =	sadd.s32 $0x6F0, s11  }
0x218: {  	[hbm4b:s29+s3] =	stream.linear.scatter [tilespmem:s28], [sflag:$0x1], $0x80, $0x38;
	[tilespmem:$0x1AC80] =	vst v63  }
0x219: {  	s11 =	sadd.s32 $0x7F0, s11;
	s13 =	sor.u32 $0x1800, s12;
	s12 =	sor.u32 $0x1C00, s12  }
0x21a: {  	[hbm4b:s31+s3] =	stream.linear.scatter [tilespmem:s30], [sflag:$0x1], $0x80, $0x38;
	[tilespmem:$0x1AC80] =	vst v63  }
0x21b: {  	[hbm4b:s14+s3] =	stream.linear.scatter [tilespmem:s13], [sflag:$0x1], $0x80, $0x38;
	[tilespmem:$0x1AC80] =	vst v63  }
0x21c: {  	_ = 	snop  }
0x21d: {  	[hbm4b:s11+s3] =	stream.linear.scatter [tilespmem:s12], [sflag:$0x1], $0x80, $0x38;
	[tilespmem:$0x1AC80] =	vst v63  }
0x21e: {  	_ =	swait.ge [sflag:s7], $0x10000  }
0x21f: {  	s9 =	simm.s32 $0x31;
	[sflag:s7] =	ssyncset.done $0x0  }
.LBB2_4:
0x220: {  	p0 =	sne.s32 s9, $0x1;
	s9 =	sadd.s32 $0xFFFFFFFF, s9;
	[sflag:s7] =	ssyncadd.s32 $0xFFFF0000  }
.Ltmp1:
0x221: {  	(pc) =	sbr.rel @p0 .LBB2_4-.Ltmp1, $3  }
0x222: {  	_ =	sdelay $0x1  }
0x223: {  	_ =	swait.ge [sflag:s7], $0x10000  }
0x224: {  	[sflag:s7] =	ssyncset.done $0x0  }
0x225: {  	s8 =	sadd.s32 $0x1, s8  }
0x226: {  	p0 =	sne.s32 s8, s5  }
.Ltmp2:
0x227: {  	_ = 	snop;
	(pc) =	sbr.rel @p0 .LBB2_1-.Ltmp2, $2  }
0x228: {  	_ =	sdelay $0x2  }
0x229: {  	[sflag:s7] =	ssyncadd.s32 $0xFFFF0000  }
0x22a: {  	_ =	sfence.sel $0x180000  }
0x22b: {  	[bflag:$0x0] =	sbarrier.arrive $0xFFFF  }
0x22c: {  	p0 =	sne.s32 s0, $0x0;
	_ =	strace $0x90000047  }
0x22d: {  	s0 =	sadd.s32 @!p0 $0x100000, s1;
	[bflag:$0x2] =	sbarrier.arrive $0xFFFF  }
0x22e: {  	[sflag:s0] =	ssyncadd.tile.s32 @!p0 $0x1;
	_ =	shalt  }
.Lfunc_end2:
_tile_overlayer_lowered:
.L_overlay_start_2:
0x22f: {  	(tag) =	ssettag $0x2  }
0x230: {  	s0 =	rddreg [dreg:$0x0];
	s2 =	stileid.u32  }
0x231: {  	s1 =	rddreg [dreg:$0x1];
	p0 =	sne.s32 s2, $0x0  }
0x232: {  	s3 =	rddreg [dreg:$0x2];
	[bflag:$0x3] =	sbarrier.arrive $0xFFFF;
	s2 =	simm.s32 @!p0 $0x1C02  }
0x233: {  	[timem:s3], [sflag:s2] =	dma.local @!p0 [hbm:s0], s1  }
0x234: {  	s0 =	simm.s32 @!p0 $0x2  }
0x235: {  	_ =	swait.ge @!p0 [sflag:s0], s1  }
0x236: {  	s1 =	ssub.s32 @!p0 $0x0, s1;
	[sflag:s0] =	ssyncset.done @!p0 $0x0  }
0x237: {  	[sflag:s0] =	ssyncadd.s32 @!p0 s1  }
0x238: {  	[bflag:$0x3] =	sbarrier.arrive $0xFFFF  }
0x239: {  	_ =	shalt  }

</sc_bundles>
